<compile_context>
chip_gen: v7x
topology: tpu7x:2x2x1
jax: 0.10.2.dev20260603
libtpu: 0.0.44.dev20260713+nightly
codegen_flags: <defaults>
</compile_context>

<pallas_src>
import functools

import jax
import jax.numpy as jnp
from jax import lax
from jax.experimental import pallas as pl
from jax.experimental.pallas import tpu as pltpu
from jax.experimental.pallas import tpu_sc as plsc

_NUM_CLASSES = 1000
_CPAD = 1000
_FEAT = 512
_BATCH = 4096

_SC_ROWS = 2048

_L = 16
_NC = 2
_NS = 16
_NW = _NC * _NS
_B_PER_W = _SC_ROWS // _NW
_CHUNK = 32
_NCHUNK = _B_PER_W // _CHUNK

_TC_ROWS = _BATCH - _SC_ROWS
_TC_BLK = 1024
_TC_GRID = _TC_ROWS // _TC_BLK


def _sc_body(features_hbm, labels_hbm, centers_hbm, out_hbm,
             idx_v, fbuf0, cbuf0, fbuf1, cbuf1, accbuf,
             fsem0, csem0, fsem1, csem1):
    wid = lax.axis_index("s") * _NC + lax.axis_index("c")
    base = wid * _B_PER_W

    pltpu.sync_copy(labels_hbm.at[pl.ds(base, _B_PER_W)], idx_v)

    fbufs = (fbuf0, fbuf1)
    cbufs = (cbuf0, cbuf1)
    fsems = (fsem0, fsem1)
    csems = (csem0, csem1)

    def start_fetch(k, slot):
        row0 = base + k * _CHUNK
        fh = pltpu.async_copy(
            features_hbm.at[pl.ds(row0, _CHUNK)], fbufs[slot], fsems[slot])
        ch = pltpu.async_copy(
            centers_hbm.at[idx_v.at[pl.ds(k * _CHUNK, _CHUNK)]],
            cbufs[slot], csems[slot])
        return fh, ch

    _NACC = 8

    def chunk_sum(fb, cb, accs):
        def row_body(r, accs):
            new = list(accs)
            for j in range(_FEAT // _L):
                f = fb[r, pl.ds(j * _L, _L)]
                c = cb[r, pl.ds(j * _L, _L)]
                d = f - c
                new[j % _NACC] = new[j % _NACC] + d * d
            return tuple(new)
        return lax.fori_loop(0, _CHUNK, row_body, accs)

    accs = tuple(jnp.zeros((_L,), jnp.float32) for _ in range(_NACC))
    handles = start_fetch(0, 0)
    for k in range(_NCHUNK):
        slot = k % 2
        next_handles = None
        if k + 1 < _NCHUNK:
            next_handles = start_fetch(k + 1, (k + 1) % 2)
        handles[0].wait()
        handles[1].wait()
        accs = chunk_sum(fbufs[slot], cbufs[slot], accs)
        handles = next_handles

    acc = accs[0]
    for a in accs[1:]:
        acc = acc + a
    accbuf[...] = acc
    pltpu.sync_copy(accbuf, out_hbm.at[wid])


_mesh = plsc.VectorSubcoreMesh(core_axis_name="c", subcore_axis_name="s")

_sc_call = functools.partial(
    pl.kernel,
    out_type=jax.ShapeDtypeStruct((_NW, _L), jnp.float32),
    mesh=_mesh,
    scratch_types=[
        pltpu.VMEM((_B_PER_W,), jnp.int32),
        pltpu.VMEM((_CHUNK, _FEAT), jnp.float32),
        pltpu.VMEM((_CHUNK, _FEAT), jnp.float32),
        pltpu.VMEM((_CHUNK, _FEAT), jnp.float32),
        pltpu.VMEM((_CHUNK, _FEAT), jnp.float32),
        pltpu.VMEM((_L,), jnp.float32),
        pltpu.SemaphoreType.DMA,
        pltpu.SemaphoreType.DMA,
        pltpu.SemaphoreType.DMA,
        pltpu.SemaphoreType.DMA,
    ],
)(_sc_body)


def _tc_body(labels_ref, f_ref, c_ref, o_ref, m_ref, n_ref):
    i = pl.program_id(0)

    @pl.when(i == 0)
    def _init():
        o_ref[...] = jnp.zeros((8, 128), jnp.float32)
        m_ref[...] = jnp.zeros((_CPAD, _FEAT), jnp.float32)
        n_ref[...] = jnp.zeros((_CPAD, 128), jnp.float32)

    lab = labels_ref[...].reshape(1, _TC_BLK)
    classes = jax.lax.broadcasted_iota(jnp.int32, (_CPAD, _TC_BLK), 0)
    onehot = jnp.where(classes == lab, 1.0, 0.0).astype(jnp.bfloat16)
    fblk = f_ref[...]
    m_ref[...] += jnp.dot(onehot, fblk.astype(jnp.bfloat16),
                          preferred_element_type=jnp.float32)
    n_ref[...] += jnp.dot(onehot, jnp.ones((_TC_BLK, 128), jnp.bfloat16),
                          preferred_element_type=jnp.float32)
    o_ref[...] += (fblk * fblk).reshape(
        _TC_BLK // 8, 8, _FEAT // 128, 128).sum(axis=(0, 2))

    @pl.when(i == _TC_GRID - 1)
    def _finish():
        cc = c_ref[...]
        corr = m_ref[...] * cc
        o_ref[...] += (-2.0) * corr.reshape(
            _CPAD // 8, 8, _FEAT // 128, 128).sum(axis=(0, 2))
        w = jnp.sum(cc * cc, axis=1, keepdims=True)
        nw = n_ref[:, 0:1] * w
        o_ref[:, 0:1] += nw.reshape(_CPAD // 8, 8, 1, 1).sum(axis=(0, 2))


_tc_call = pl.pallas_call(
    _tc_body,
    grid=(_TC_GRID,),
    in_specs=[
        pl.BlockSpec((1, 1, _TC_BLK),
                     lambda i: (_SC_ROWS // _TC_BLK + i, 0, 0)),
        pl.BlockSpec((_TC_BLK, _FEAT), lambda i: (_SC_ROWS // _TC_BLK + i, 0)),
        pl.BlockSpec((_CPAD, _FEAT), lambda i: (0, 0)),
    ],
    out_specs=pl.BlockSpec((8, 128), lambda i: (0, 0)),
    out_shape=jax.ShapeDtypeStruct((8, 128), jnp.float32),
    scratch_shapes=[
        pltpu.VMEM((_CPAD, _FEAT), jnp.float32),
        pltpu.VMEM((_CPAD, 128), jnp.float32),
    ],
)


@jax.jit
def kernel(features, labels, centers):
    labels_i32 = labels.astype(jnp.int32)
    labels_2d = labels_i32.reshape(_BATCH // _TC_BLK, 1, _TC_BLK)
    sc_partials = _sc_call(features, labels_i32, centers)
    tc_partials = _tc_call(labels_2d, features, centers)
    total = jnp.sum(sc_partials) + jnp.sum(tc_partials)
    return total * (0.5 / _BATCH)

# --- scband reference (transcript-rebuilt; emitter-appended) ---
"""Pipeline reference for scband-center-loss-12601434046600 (READ-ONLY COPY).

The authoritative reference and input builder live on the scoring server;
editing this copy changes nothing except your own understanding.
"""

import jax, jax.numpy as jnp
import numpy as np

NUM_CLASSES = 1000
FEAT_DIM = 512
BATCH = 4096


def setup_inputs(seed: int = 0) -> dict:
    key = jax.random.key(seed)
    k1, k2, k3 = jax.random.split(key, 3)
    features = jax.random.normal(k1, (BATCH, FEAT_DIM), dtype=jnp.float32)
    labels = jax.random.randint(k2, (BATCH,), 0, NUM_CLASSES, dtype=jnp.int64)
    centers = jax.random.normal(k3, (NUM_CLASSES, FEAT_DIM), dtype=jnp.float32)
    return {"features": features, "labels": labels, "centers": centers}


def reference(features, labels, centers):
    batch_size = features.shape[0]
    centers_batch = jnp.take(centers, labels, axis=0)
    loss = jnp.sum(jnp.square(features - centers_batch)) / (2.0 * batch_size)
    return loss

if __name__ == "__main__":
    import jax
    _d = setup_inputs()
    print(jax.jit(kernel)(*tuple(_d.values())))

</pallas_src>

<mosaic_0001>
#map = affine_map<(d0, d1) -> (0, 0)>
#map1 = affine_map<(d0, d1) -> (0)>
module attributes {stable_mosaic.version = 14 : i64} {
  func.func @_sc_body(%arg0: i32, %arg1: i32, %arg2: memref<4096x512xf32, #tpu.memory_space<hbm>>, %arg3: memref<4096xi32, #tpu.memory_space<hbm>>, %arg4: memref<1000x512xf32, #tpu.memory_space<hbm>>, %arg5: memref<32x16xf32, #tpu.memory_space<hbm>>, %arg6: memref<64xi32, #tpu.memory_space<vmem>>, %arg7: memref<32x512xf32, #tpu.memory_space<vmem>>, %arg8: memref<32x512xf32, #tpu.memory_space<vmem>>, %arg9: memref<32x512xf32, #tpu.memory_space<vmem>>, %arg10: memref<32x512xf32, #tpu.memory_space<vmem>>, %arg11: memref<16xf32, #tpu.memory_space<vmem>>, %arg12: memref<!tpu.dma_semaphore, #tpu.memory_space<semaphore_mem>>, %arg13: memref<!tpu.dma_semaphore, #tpu.memory_space<semaphore_mem>>, %arg14: memref<!tpu.dma_semaphore, #tpu.memory_space<semaphore_mem>>, %arg15: memref<!tpu.dma_semaphore, #tpu.memory_space<semaphore_mem>>) attributes {dimension_semantics = [#tpu.dimension_semantics<core_parallel>, #tpu.dimension_semantics<subcore_parallel>], iteration_bounds = array<i64: 2, 16>, scalar_prefetch = 0 : i64, scratch_operands = 10 : i64, tpu.core_type = #tpu.core_type<sc_vector_subcore>, window_params = [{transform_indices = #map}, {transform_indices = #map1}, {transform_indices = #map}, {transform_indices = #map}]} {
    %mul3A = arith.constant 2 : i32
    %mul3A_0 = arith.muli %arg1, %mul3A : i32
    %add3A = arith.addi %mul3A_0, %arg0 : i32
    %mul3A_1 = arith.constant 64 : i32
    %mul3A_2 = arith.muli %add3A, %mul3A_1 : i32
    "tpu.region"() ({
      %run_scoped3A = tpu.sem_alloc : memref<!tpu.dma_semaphore, #tpu.memory_space<semaphore_mem>>
      %dma_start3A_77 = tpu.memref_slice %arg3[%mul3A_2] : memref<4096xi32, #tpu.memory_space<hbm>> -> memref<64xi32, #tpu.memory_space<hbm>>
      %dma_start3A_78 = tpu.memref_slice %arg3[%mul3A_2] : memref<4096xi32, #tpu.memory_space<hbm>> -> memref<64xi32, #tpu.memory_space<hbm>>
      tpu.enqueue_dma source(%dma_start3A_78 : memref<64xi32, #tpu.memory_space<hbm>>) target(%arg6 : memref<64xi32, #tpu.memory_space<vmem>>) target_semaphore(%run_scoped3A : memref<!tpu.dma_semaphore, #tpu.memory_space<semaphore_mem>>)
      %dma_wait3A_79 = tpu.memref_slice %arg3[%mul3A_2] : memref<4096xi32, #tpu.memory_space<hbm>> -> memref<64xi32, #tpu.memory_space<hbm>>
      %dma_wait3A_80 = tpu.memref_slice %arg3[%mul3A_2] : memref<4096xi32, #tpu.memory_space<hbm>> -> memref<64xi32, #tpu.memory_space<hbm>>
      tpu.wait_dma2 semaphore(%run_scoped3A : memref<!tpu.dma_semaphore, #tpu.memory_space<semaphore_mem>>) src(%dma_wait3A_80 : memref<64xi32, #tpu.memory_space<hbm>>) dst(%arg6 : memref<64xi32, #tpu.memory_space<vmem>>)
      tpu.yield
    }) : () -> ()
    %broadcast_in_dim3A = arith.constant 0.000000e+00 : f32
    %broadcast_in_dim3A_3 = vector.broadcast %broadcast_in_dim3A : f32 to vector<16xf32>
    %broadcast_in_dim3A_4 = arith.constant 0.000000e+00 : f32
    %broadcast_in_dim3A_5 = vector.broadcast %broadcast_in_dim3A_4 : f32 to vector<16xf32>
    %broadcast_in_dim3A_6 = arith.constant 0.000000e+00 : f32
    %broadcast_in_dim3A_7 = vector.broadcast %broadcast_in_dim3A_6 : f32 to vector<16xf32>
    %broadcast_in_dim3A_8 = arith.constant 0.000000e+00 : f32
    %broadcast_in_dim3A_9 = vector.broadcast %broadcast_in_dim3A_8 : f32 to vector<16xf32>
    %broadcast_in_dim3A_10 = arith.constant 0.000000e+00 : f32
    %broadcast_in_dim3A_11 = vector.broadcast %broadcast_in_dim3A_10 : f32 to vector<16xf32>
    %broadcast_in_dim3A_12 = arith.constant 0.000000e+00 : f32
    %broadcast_in_dim3A_13 = vector.broadcast %broadcast_in_dim3A_12 : f32 to vector<16xf32>
    %broadcast_in_dim3A_14 = arith.constant 0.000000e+00 : f32
    %broadcast_in_dim3A_15 = vector.broadcast %broadcast_in_dim3A_14 : f32 to vector<16xf32>
    %broadcast_in_dim3A_16 = arith.constant 0.000000e+00 : f32
    %broadcast_in_dim3A_17 = vector.broadcast %broadcast_in_dim3A_16 : f32 to vector<16xf32>
    %add3A_18 = arith.constant 0 : i32
    %add3A_19 = arith.addi %mul3A_2, %add3A_18 : i32
    %dma_start3A = arith.constant 0 : i32
    %dma_start3A_20 = tpu.memref_slice %arg2[%add3A_19, %dma_start3A] : memref<4096x512xf32, #tpu.memory_space<hbm>> -> memref<32x512xf32, #tpu.memory_space<hbm>>
    %dma_start3A_21 = arith.constant 0 : i32
    %dma_start3A_22 = tpu.memref_slice %arg2[%add3A_19, %dma_start3A_21] : memref<4096x512xf32, #tpu.memory_space<hbm>> -> memref<32x512xf32, #tpu.memory_space<hbm>>
    tpu.enqueue_dma source(%dma_start3A_22 : memref<32x512xf32, #tpu.memory_space<hbm>>) target(%arg7 : memref<32x512xf32, #tpu.memory_space<vmem>>) target_semaphore(%arg12 : memref<!tpu.dma_semaphore, #tpu.memory_space<semaphore_mem>>)
    %dma_start3A_23 = arith.constant 0 : i32
    %dma_start3A_24 = tpu.memref_slice %arg6[%dma_start3A_23] : memref<64xi32, #tpu.memory_space<vmem>> -> memref<32xi32, #tpu.memory_space<vmem>>
    %dma_start3A_25 = arith.constant 0 : i32
    %dma_start3A_26 = arith.constant 0 : i32
    %dma_start3A_27 = tpu.memref_slice %arg4[%dma_start3A_25, %dma_start3A_26] : memref<1000x512xf32, #tpu.memory_space<hbm>> -> memref<1000x512xf32, #tpu.memory_space<hbm>>
    tpu.enqueue_indirect_dma source(%dma_start3A_27 : memref<1000x512xf32, #tpu.memory_space<hbm>>) target(%arg8 : memref<32x512xf32, #tpu.memory_space<vmem>>) offsets(%dma_start3A_24 : memref<32xi32, #tpu.memory_space<vmem>>) semaphore(%arg13 : memref<!tpu.dma_semaphore, #tpu.memory_space<semaphore_mem>>)
    %add3A_28 = arith.constant 32 : i32
    %add3A_29 = arith.addi %mul3A_2, %add3A_28 : i32
    %dma_start3A_30 = arith.constant 0 : i32
    %dma_start3A_31 = tpu.memref_slice %arg2[%add3A_29, %dma_start3A_30] : memref<4096x512xf32, #tpu.memory_space<hbm>> -> memref<32x512xf32, #tpu.memory_space<hbm>>
    %dma_start3A_32 = arith.constant 0 : i32
    %dma_start3A_33 = tpu.memref_slice %arg2[%add3A_29, %dma_start3A_32] : memref<4096x512xf32, #tpu.memory_space<hbm>> -> memref<32x512xf32, #tpu.memory_space<hbm>>
    tpu.enqueue_dma source(%dma_start3A_33 : memref<32x512xf32, #tpu.memory_space<hbm>>) target(%arg9 : memref<32x512xf32, #tpu.memory_space<vmem>>) target_semaphore(%arg14 : memref<!tpu.dma_semaphore, #tpu.memory_space<semaphore_mem>>)
    %dma_start3A_34 = arith.constant 32 : i32
    %dma_start3A_35 = tpu.memref_slice %arg6[%dma_start3A_34] : memref<64xi32, #tpu.memory_space<vmem>> -> memref<32xi32, #tpu.memory_space<vmem>>
    %dma_start3A_36 = arith.constant 0 : i32
    %dma_start3A_37 = arith.constant 0 : i32
    %dma_start3A_38 = tpu.memref_slice %arg4[%dma_start3A_36, %dma_start3A_37] : memref<1000x512xf32, #tpu.memory_space<hbm>> -> memref<1000x512xf32, #tpu.memory_space<hbm>>
    tpu.enqueue_indirect_dma source(%dma_start3A_38 : memref<1000x512xf32, #tpu.memory_space<hbm>>) target(%arg10 : memref<32x512xf32, #tpu.memory_space<vmem>>) offsets(%dma_start3A_35 : memref<32xi32, #tpu.memory_space<vmem>>) semaphore(%arg15 : memref<!tpu.dma_semaphore, #tpu.memory_space<semaphore_mem>>)
    %dma_wait3A = arith.constant 0 : i32
    %dma_wait3A_39 = tpu.memref_slice %arg2[%add3A_19, %dma_wait3A] : memref<4096x512xf32, #tpu.memory_space<hbm>> -> memref<32x512xf32, #tpu.memory_space<hbm>>
    %dma_wait3A_40 = arith.constant 0 : i32
    %dma_wait3A_41 = tpu.memref_slice %arg2[%add3A_19, %dma_wait3A_40] : memref<4096x512xf32, #tpu.memory_space<hbm>> -> memref<32x512xf32, #tpu.memory_space<hbm>>
    tpu.wait_dma2 semaphore(%arg12 : memref<!tpu.dma_semaphore, #tpu.memory_space<semaphore_mem>>) src(%dma_wait3A_41 : memref<32x512xf32, #tpu.memory_space<hbm>>) dst(%arg7 : memref<32x512xf32, #tpu.memory_space<vmem>>)
    %dma_wait3A_42 = arith.constant 0 : i32
    %dma_wait3A_43 = tpu.memref_slice %arg6[%dma_wait3A_42] : memref<64xi32, #tpu.memory_space<vmem>> -> memref<32xi32, #tpu.memory_space<vmem>>
    %dma_wait3A_44 = arith.constant 0 : i32
    %dma_wait3A_45 = arith.constant 0 : i32
    %dma_wait3A_46 = tpu.memref_slice %arg4[%dma_wait3A_44, %dma_wait3A_45] : memref<1000x512xf32, #tpu.memory_space<hbm>> -> memref<1000x512xf32, #tpu.memory_space<hbm>>
    tpu.wait_indirect_dma semaphore(%arg13 : memref<!tpu.dma_semaphore, #tpu.memory_space<semaphore_mem>>) src(%dma_wait3A_46 : memref<1000x512xf32, #tpu.memory_space<hbm>>) dst(%arg8 : memref<32x512xf32, #tpu.memory_space<vmem>>)
    %scan3A = arith.constant 0 : i32
    %scan3A_47 = arith.constant 32 : i32
    %scan3A_48 = arith.addi %scan3A, %scan3A_47 : i32
    %scan3A_49 = arith.constant 1 : i32
    %scan3A_50:8 = scf.for %scan3A_77 = %scan3A to %scan3A_48 step %scan3A_49 iter_args(%scan3A_78 = %broadcast_in_dim3A_3, %scan3A_79 = %broadcast_in_dim3A_5, %scan3A_80 = %broadcast_in_dim3A_7, %scan3A_81 = %broadcast_in_dim3A_9, %scan3A_82 = %broadcast_in_dim3A_11, %scan3A_83 = %broadcast_in_dim3A_13, %scan3A_84 = %broadcast_in_dim3A_15, %scan3A_85 = %broadcast_in_dim3A_17) -> (vector<16xf32>, vector<16xf32>, vector<16xf32>, vector<16xf32>, vector<16xf32>, vector<16xf32>, vector<16xf32>, vector<16xf32>)  : i32 {
      %get3A = arith.index_cast %scan3A_77 : i32 to index
      %get3A_86 = arith.constant 0 : index
      %get3A_87 = tpu.vector_load %arg7[%get3A, %get3A_86] {strides = array<i32>} : memref<32x512xf32, #tpu.memory_space<vmem>>, vector<1x16xf32>,
      %get3A_88 = vector.shape_cast %get3A_87 : vector<1x16xf32> to vector<16xf32>
      %get3A_89 = arith.index_cast %scan3A_77 : i32 to index
      %get3A_90 = arith.constant 0 : index
      %get3A_91 = tpu.vector_load %arg8[%get3A_89, %get3A_90] {strides = array<i32>} : memref<32x512xf32, #tpu.memory_space<vmem>>, vector<1x16xf32>,
      %get3A_92 = vector.shape_cast %get3A_91 : vector<1x16xf32> to vector<16xf32>
      %sub3A = arith.subf %get3A_88, %get3A_92 : vector<16xf32>
      %mul3A_93 = arith.mulf %sub3A, %sub3A : vector<16xf32>
      %add3A_94 = arith.addf %scan3A_78, %mul3A_93 : vector<16xf32>
      %get3A_95 = arith.index_cast %scan3A_77 : i32 to index
      %get3A_96 = arith.constant 16 : index
      %get3A_97 = tpu.vector_load %arg7[%get3A_95, %get3A_96] {strides = array<i32>} : memref<32x512xf32, #tpu.memory_space<vmem>>, vector<1x16xf32>,
      %get3A_98 = vector.shape_cast %get3A_97 : vector<1x16xf32> to vector<16xf32>
      %get3A_99 = arith.index_cast %scan3A_77 : i32 to index
      %get3A_100 = arith.constant 16 : index
      %get3A_101 = tpu.vector_load %arg8[%get3A_99, %get3A_100] {strides = array<i32>} : memref<32x512xf32, #tpu.memory_space<vmem>>, vector<1x16xf32>,
      %get3A_102 = vector.shape_cast %get3A_101 : vector<1x16xf32> to vector<16xf32>
      %sub3A_103 = arith.subf %get3A_98, %get3A_102 : vector<16xf32>
      %mul3A_104 = arith.mulf %sub3A_103, %sub3A_103 : vector<16xf32>
      %add3A_105 = arith.addf %scan3A_79, %mul3A_104 : vector<16xf32>
      %get3A_106 = arith.index_cast %scan3A_77 : i32 to index
      %get3A_107 = arith.constant 32 : index
      %get3A_108 = tpu.vector_load %arg7[%get3A_106, %get3A_107] {strides = array<i32>} : memref<32x512xf32, #tpu.memory_space<vmem>>, vector<1x16xf32>,
      %get3A_109 = vector.shape_cast %get3A_108 : vector<1x16xf32> to vector<16xf32>
      %get3A_110 = arith.index_cast %scan3A_77 : i32 to index
      %get3A_111 = arith.constant 32 : index
      %get3A_112 = tpu.vector_load %arg8[%get3A_110, %get3A_111] {strides = array<i32>} : memref<32x512xf32, #tpu.memory_space<vmem>>, vector<1x16xf32>,
      %get3A_113 = vector.shape_cast %get3A_112 : vector<1x16xf32> to vector<16xf32>
      %sub3A_114 = arith.subf %get3A_109, %get3A_113 : vector<16xf32>
      %mul3A_115 = arith.mulf %sub3A_114, %sub3A_114 : vector<16xf32>
      %add3A_116 = arith.addf %scan3A_80, %mul3A_115 : vector<16xf32>
      %get3A_117 = arith.index_cast %scan3A_77 : i32 to index
      %get3A_118 = arith.constant 48 : index
      %get3A_119 = tpu.vector_load %arg7[%get3A_117, %get3A_118] {strides = array<i32>} : memref<32x512xf32, #tpu.memory_space<vmem>>, vector<1x16xf32>,
      %get3A_120 = vector.shape_cast %get3A_119 : vector<1x16xf32> to vector<16xf32>
      %get3A_121 = arith.index_cast %scan3A_77 : i32 to index
      %get3A_122 = arith.constant 48 : index
      %get3A_123 = tpu.vector_load %arg8[%get3A_121, %get3A_122] {strides = array<i32>} : memref<32x512xf32, #tpu.memory_space<vmem>>, vector<1x16xf32>,
      %get3A_124 = vector.shape_cast %get3A_123 : vector<1x16xf32> to vector<16xf32>
      %sub3A_125 = arith.subf %get3A_120, %get3A_124 : vector<16xf32>
      %mul3A_126 = arith.mulf %sub3A_125, %sub3A_125 : vector<16xf32>
      %add3A_127 = arith.addf %scan3A_81, %mul3A_126 : vector<16xf32>
      %get3A_128 = arith.index_cast %scan3A_77 : i32 to index
      %get3A_129 = arith.constant 64 : index
      %get3A_130 = tpu.vector_load %arg7[%get3A_128, %get3A_129] {strides = array<i32>} : memref<32x512xf32, #tpu.memory_space<vmem>>, vector<1x16xf32>,
      %get3A_131 = vector.shape_cast %get3A_130 : vector<1x16xf32> to vector<16xf32>
      %get3A_132 = arith.index_cast %scan3A_77 : i32 to index
      %get3A_133 = arith.constant 64 : index
      %get3A_134 = tpu.vector_load %arg8[%get3A_132, %get3A_133] {strides = array<i32>} : memref<32x512xf32, #tpu.memory_space<vmem>>, vector<1x16xf32>,
      %get3A_135 = vector.shape_cast %get3A_134 : vector<1x16xf32> to vector<16xf32>
      %sub3A_136 = arith.subf %get3A_131, %get3A_135 : vector<16xf32>
      %mul3A_137 = arith.mulf %sub3A_136, %sub3A_136 : vector<16xf32>
      %add3A_138 = arith.addf %scan3A_82, %mul3A_137 : vector<16xf32>
      %get3A_139 = arith.index_cast %scan3A_77 : i32 to index
      %get3A_140 = arith.constant 80 : index
      %get3A_141 = tpu.vector_load %arg7[%get3A_139, %get3A_140] {strides = array<i32>} : memref<32x512xf32, #tpu.memory_space<vmem>>, vector<1x16xf32>,
      %get3A_142 = vector.shape_cast %get3A_141 : vector<1x16xf32> to vector<16xf32>
      %get3A_143 = arith.index_cast %scan3A_77 : i32 to index
      %get3A_144 = arith.constant 80 : index
      %get3A_145 = tpu.vector_load %arg8[%get3A_143, %get3A_144] {strides = array<i32>} : memref<32x512xf32, #tpu.memory_space<vmem>>, vector<1x16xf32>,
      %get3A_146 = vector.shape_cast %get3A_145 : vector<1x16xf32> to vector<16xf32>
      %sub3A_147 = arith.subf %get3A_142, %get3A_146 : vector<16xf32>
      %mul3A_148 = arith.mulf %sub3A_147, %sub3A_147 : vector<16xf32>
      %add3A_149 = arith.addf %scan3A_83, %mul3A_148 : vector<16xf32>
      %get3A_150 = arith.index_cast %scan3A_77 : i32 to index
      %get3A_151 = arith.constant 96 : index
      %get3A_152 = tpu.vector_load %arg7[%get3A_150, %get3A_151] {strides = array<i32>} : memref<32x512xf32, #tpu.memory_space<vmem>>, vector<1x16xf32>,
      %get3A_153 = vector.shape_cast %get3A_152 : vector<1x16xf32> to vector<16xf32>
      %get3A_154 = arith.index_cast %scan3A_77 : i32 to index
      %get3A_155 = arith.constant 96 : index
      %get3A_156 = tpu.vector_load %arg8[%get3A_154, %get3A_155] {strides = array<i32>} : memref<32x512xf32, #tpu.memory_space<vmem>>, vector<1x16xf32>,
      %get3A_157 = vector.shape_cast %get3A_156 : vector<1x16xf32> to vector<16xf32>
      %sub3A_158 = arith.subf %get3A_153, %get3A_157 : vector<16xf32>
      %mul3A_159 = arith.mulf %sub3A_158, %sub3A_158 : vector<16xf32>
      %add3A_160 = arith.addf %scan3A_84, %mul3A_159 : vector<16xf32>
      %get3A_161 = arith.index_cast %scan3A_77 : i32 to index
      %get3A_162 = arith.constant 112 : index
      %get3A_163 = tpu.vector_load %arg7[%get3A_161, %get3A_162] {strides = array<i32>} : memref<32x512xf32, #tpu.memory_space<vmem>>, vector<1x16xf32>,
      %get3A_164 = vector.shape_cast %get3A_163 : vector<1x16xf32> to vector<16xf32>
      %get3A_165 = arith.index_cast %scan3A_77 : i32 to index
      %get3A_166 = arith.constant 112 : index
      %get3A_167 = tpu.vector_load %arg8[%get3A_165, %get3A_166] {strides = array<i32>} : memref<32x512xf32, #tpu.memory_space<vmem>>, vector<1x16xf32>,
      %get3A_168 = vector.shape_cast %get3A_167 : vector<1x16xf32> to vector<16xf32>
      %sub3A_169 = arith.subf %get3A_164, %get3A_168 : vector<16xf32>
      %mul3A_170 = arith.mulf %sub3A_169, %sub3A_169 : vector<16xf32>
      %add3A_171 = arith.addf %scan3A_85, %mul3A_170 : vector<16xf32>
      %get3A_172 = arith.index_cast %scan3A_77 : i32 to index
      %get3A_173 = arith.constant 128 : index
      %get3A_174 = tpu.vector_load %arg7[%get3A_172, %get3A_173] {strides = array<i32>} : memref<32x512xf32, #tpu.memory_space<vmem>>, vector<1x16xf32>,
      %get3A_175 = vector.shape_cast %get3A_174 : vector<1x16xf32> to vector<16xf32>
      %get3A_176 = arith.index_cast %scan3A_77 : i32 to index
      %get3A_177 = arith.constant 128 : index
      %get3A_178 = tpu.vector_load %arg8[%get3A_176, %get3A_177] {strides = array<i32>} : memref<32x512xf32, #tpu.memory_space<vmem>>, vector<1x16xf32>,
      %get3A_179 = vector.shape_cast %get3A_178 : vector<1x16xf32> to vector<16xf32>
      %sub3A_180 = arith.subf %get3A_175, %get3A_179 : vector<16xf32>
      %mul3A_181 = arith.mulf %sub3A_180, %sub3A_180 : vector<16xf32>
      %add3A_182 = arith.addf %add3A_94, %mul3A_181 : vector<16xf32>
      %get3A_183 = arith.index_cast %scan3A_77 : i32 to index
      %get3A_184 = arith.constant 144 : index
      %get3A_185 = tpu.vector_load %arg7[%get3A_183, %get3A_184] {strides = array<i32>} : memref<32x512xf32, #tpu.memory_space<vmem>>, vector<1x16xf32>,
      %get3A_186 = vector.shape_cast %get3A_185 : vector<1x16xf32> to vector<16xf32>
      %get3A_187 = arith.index_cast %scan3A_77 : i32 to index
      %get3A_188 = arith.constant 144 : index
      %get3A_189 = tpu.vector_load %arg8[%get3A_187, %get3A_188] {strides = array<i32>} : memref<32x512xf32, #tpu.memory_space<vmem>>, vector<1x16xf32>,
      %get3A_190 = vector.shape_cast %get3A_189 : vector<1x16xf32> to vector<16xf32>
      %sub3A_191 = arith.subf %get3A_186, %get3A_190 : vector<16xf32>
      %mul3A_192 = arith.mulf %sub3A_191, %sub3A_191 : vector<16xf32>
      %add3A_193 = arith.addf %add3A_105, %mul3A_192 : vector<16xf32>
      %get3A_194 = arith.index_cast %scan3A_77 : i32 to index
      %get3A_195 = arith.constant 160 : index
      %get3A_196 = tpu.vector_load %arg7[%get3A_194, %get3A_195] {strides = array<i32>} : memref<32x512xf32, #tpu.memory_space<vmem>>, vector<1x16xf32>,
      %get3A_197 = vector.shape_cast %get3A_196 : vector<1x16xf32> to vector<16xf32>
      %get3A_198 = arith.index_cast %scan3A_77 : i32 to index
      %get3A_199 = arith.constant 160 : index
      %get3A_200 = tpu.vector_load %arg8[%get3A_198, %get3A_199] {strides = array<i32>} : memref<32x512xf32, #tpu.memory_space<vmem>>, vector<1x16xf32>,
      %get3A_201 = vector.shape_cast %get3A_200 : vector<1x16xf32> to vector<16xf32>
      %sub3A_202 = arith.subf %get3A_197, %get3A_201 : vector<16xf32>
      %mul3A_203 = arith.mulf %sub3A_202, %sub3A_202 : vector<16xf32>
      %add3A_204 = arith.addf %add3A_116, %mul3A_203 : vector<16xf32>
      %get3A_205 = arith.index_cast %scan3A_77 : i32 to index
      %get3A_206 = arith.constant 176 : index
      %get3A_207 = tpu.vector_load %arg7[%get3A_205, %get3A_206] {strides = array<i32>} : memref<32x512xf32, #tpu.memory_space<vmem>>, vector<1x16xf32>,
      %get3A_208 = vector.shape_cast %get3A_207 : vector<1x16xf32> to vector<16xf32>
      %get3A_209 = arith.index_cast %scan3A_77 : i32 to index
      %get3A_210 = arith.constant 176 : index
      %get3A_211 = tpu.vector_load %arg8[%get3A_209, %get3A_210] {strides = array<i32>} : memref<32x512xf32, #tpu.memory_space<vmem>>, vector<1x16xf32>,
      %get3A_212 = vector.shape_cast %get3A_211 : vector<1x16xf32> to vector<16xf32>
      %sub3A_213 = arith.subf %get3A_208, %get3A_212 : vector<16xf32>
      %mul3A_214 = arith.mulf %sub3A_213, %sub3A_213 : vector<16xf32>
      %add3A_215 = arith.addf %add3A_127, %mul3A_214 : vector<16xf32>
      %get3A_216 = arith.index_cast %scan3A_77 : i32 to index
      %get3A_217 = arith.constant 192 : index
      %get3A_218 = tpu.vector_load %arg7[%get3A_216, %get3A_217] {strides = array<i32>} : memref<32x512xf32, #tpu.memory_space<vmem>>, vector<1x16xf32>,
      %get3A_219 = vector.shape_cast %get3A_218 : vector<1x16xf32> to vector<16xf32>
      %get3A_220 = arith.index_cast %scan3A_77 : i32 to index
      %get3A_221 = arith.constant 192 : index
      %get3A_222 = tpu.vector_load %arg8[%get3A_220, %get3A_221] {strides = array<i32>} : memref<32x512xf32, #tpu.memory_space<vmem>>, vector<1x16xf32>,
      %get3A_223 = vector.shape_cast %get3A_222 : vector<1x16xf32> to vector<16xf32>
      %sub3A_224 = arith.subf %get3A_219, %get3A_223 : vector<16xf32>
      %mul3A_225 = arith.mulf %sub3A_224, %sub3A_224 : vector<16xf32>
      %add3A_226 = arith.addf %add3A_138, %mul3A_225 : vector<16xf32>
      %get3A_227 = arith.index_cast %scan3A_77 : i32 to index
      %get3A_228 = arith.constant 208 : index
      %get3A_229 = tpu.vector_load %arg7[%get3A_227, %get3A_228] {strides = array<i32>} : memref<32x512xf32, #tpu.memory_space<vmem>>, vector<1x16xf32>,
      %get3A_230 = vector.shape_cast %get3A_229 : vector<1x16xf32> to vector<16xf32>
      %get3A_231 = arith.index_cast %scan3A_77 : i32 to index
      %get3A_232 = arith.constant 208 : index
      %get3A_233 = tpu.vector_load %arg8[%get3A_231, %get3A_232] {strides = array<i32>} : memref<32x512xf32, #tpu.memory_space<vmem>>, vector<1x16xf32>,
      %get3A_234 = vector.shape_cast %get3A_233 : vector<1x16xf32> to vector<16xf32>
      %sub3A_235 = arith.subf %get3A_230, %get3A_234 : vector<16xf32>
      %mul3A_236 = arith.mulf %sub3A_235, %sub3A_235 : vector<16xf32>
      %add3A_237 = arith.addf %add3A_149, %mul3A_236 : vector<16xf32>
      %get3A_238 = arith.index_cast %scan3A_77 : i32 to index
      %get3A_239 = arith.constant 224 : index
      %get3A_240 = tpu.vector_load %arg7[%get3A_238, %get3A_239] {strides = array<i32>} : memref<32x512xf32, #tpu.memory_space<vmem>>, vector<1x16xf32>,
      %get3A_241 = vector.shape_cast %get3A_240 : vector<1x16xf32> to vector<16xf32>
      %get3A_242 = arith.index_cast %scan3A_77 : i32 to index
      %get3A_243 = arith.constant 224 : index
      %get3A_244 = tpu.vector_load %arg8[%get3A_242, %get3A_243] {strides = array<i32>} : memref<32x512xf32, #tpu.memory_space<vmem>>, vector<1x16xf32>,
      %get3A_245 = vector.shape_cast %get3A_244 : vector<1x16xf32> to vector<16xf32>
      %sub3A_246 = arith.subf %get3A_241, %get3A_245 : vector<16xf32>
      %mul3A_247 = arith.mulf %sub3A_246, %sub3A_246 : vector<16xf32>
      %add3A_248 = arith.addf %add3A_160, %mul3A_247 : vector<16xf32>
      %get3A_249 = arith.index_cast %scan3A_77 : i32 to index
      %get3A_250 = arith.constant 240 : index
      %get3A_251 = tpu.vector_load %arg7[%get3A_249, %get3A_250] {strides = array<i32>} : memref<32x512xf32, #tpu.memory_space<vmem>>, vector<1x16xf32>,
      %get3A_252 = vector.shape_cast %get3A_251 : vector<1x16xf32> to vector<16xf32>
      %get3A_253 = arith.index_cast %scan3A_77 : i32 to index
      %get3A_254 = arith.constant 240 : index
      %get3A_255 = tpu.vector_load %arg8[%get3A_253, %get3A_254] {strides = array<i32>} : memref<32x512xf32, #tpu.memory_space<vmem>>, vector<1x16xf32>,
      %get3A_256 = vector.shape_cast %get3A_255 : vector<1x16xf32> to vector<16xf32>
      %sub3A_257 = arith.subf %get3A_252, %get3A_256 : vector<16xf32>
      %mul3A_258 = arith.mulf %sub3A_257, %sub3A_257 : vector<16xf32>
      %add3A_259 = arith.addf %add3A_171, %mul3A_258 : vector<16xf32>
      %get3A_260 = arith.index_cast %scan3A_77 : i32 to index
      %get3A_261 = arith.constant 256 : index
      %get3A_262 = tpu.vector_load %arg7[%get3A_260, %get3A_261] {strides = array<i32>} : memref<32x512xf32, #tpu.memory_space<vmem>>, vector<1x16xf32>,
      %get3A_263 = vector.shape_cast %get3A_262 : vector<1x16xf32> to vector<16xf32>
      %get3A_264 = arith.index_cast %scan3A_77 : i32 to index
      %get3A_265 = arith.constant 256 : index
      %get3A_266 = tpu.vector_load %arg8[%get3A_264, %get3A_265] {strides = array<i32>} : memref<32x512xf32, #tpu.memory_space<vmem>>, vector<1x16xf32>,
      %get3A_267 = vector.shape_cast %get3A_266 : vector<1x16xf32> to vector<16xf32>
      %sub3A_268 = arith.subf %get3A_263, %get3A_267 : vector<16xf32>
      %mul3A_269 = arith.mulf %sub3A_268, %sub3A_268 : vector<16xf32>
      %add3A_270 = arith.addf %add3A_182, %mul3A_269 : vector<16xf32>
      %get3A_271 = arith.index_cast %scan3A_77 : i32 to index
      %get3A_272 = arith.constant 272 : index
      %get3A_273 = tpu.vector_load %arg7[%get3A_271, %get3A_272] {strides = array<i32>} : memref<32x512xf32, #tpu.memory_space<vmem>>, vector<1x16xf32>,
      %get3A_274 = vector.shape_cast %get3A_273 : vector<1x16xf32> to vector<16xf32>
      %get3A_275 = arith.index_cast %scan3A_77 : i32 to index
      %get3A_276 = arith.constant 272 : index
      %get3A_277 = tpu.vector_load %arg8[%get3A_275, %get3A_276] {strides = array<i32>} : memref<32x512xf32, #tpu.memory_space<vmem>>, vector<1x16xf32>,
      %get3A_278 = vector.shape_cast %get3A_277 : vector<1x16xf32> to vector<16xf32>
      %sub3A_279 = arith.subf %get3A_274, %get3A_278 : vector<16xf32>
      %mul3A_280 = arith.mulf %sub3A_279, %sub3A_279 : vector<16xf32>
      %add3A_281 = arith.addf %add3A_193, %mul3A_280 : vector<16xf32>
      %get3A_282 = arith.index_cast %scan3A_77 : i32 to index
      %get3A_283 = arith.constant 288 : index
      %get3A_284 = tpu.vector_load %arg7[%get3A_282, %get3A_283] {strides = array<i32>} : memref<32x512xf32, #tpu.memory_space<vmem>>, vector<1x16xf32>,
      %get3A_285 = vector.shape_cast %get3A_284 : vector<1x16xf32> to vector<16xf32>
      %get3A_286 = arith.index_cast %scan3A_77 : i32 to index
      %get3A_287 = arith.constant 288 : index
      %get3A_288 = tpu.vector_load %arg8[%get3A_286, %get3A_287] {strides = array<i32>} : memref<32x512xf32, #tpu.memory_space<vmem>>, vector<1x16xf32>,
      %get3A_289 = vector.shape_cast %get3A_288 : vector<1x16xf32> to vector<16xf32>
      %sub3A_290 = arith.subf %get3A_285, %get3A_289 : vector<16xf32>
      %mul3A_291 = arith.mulf %sub3A_290, %sub3A_290 : vector<16xf32>
      %add3A_292 = arith.addf %add3A_204, %mul3A_291 : vector<16xf32>
      %get3A_293 = arith.index_cast %scan3A_77 : i32 to index
      %get3A_294 = arith.constant 304 : index
      %get3A_295 = tpu.vector_load %arg7[%get3A_293, %get3A_294] {strides = array<i32>} : memref<32x512xf32, #tpu.memory_space<vmem>>, vector<1x16xf32>,
      %get3A_296 = vector.shape_cast %get3A_295 : vector<1x16xf32> to vector<16xf32>
      %get3A_297 = arith.index_cast %scan3A_77 : i32 to index
      %get3A_298 = arith.constant 304 : index
      %get3A_299 = tpu.vector_load %arg8[%get3A_297, %get3A_298] {strides = array<i32>} : memref<32x512xf32, #tpu.memory_space<vmem>>, vector<1x16xf32>,
      %get3A_300 = vector.shape_cast %get3A_299 : vector<1x16xf32> to vector<16xf32>
      %sub3A_301 = arith.subf %get3A_296, %get3A_300 : vector<16xf32>
      %mul3A_302 = arith.mulf %sub3A_301, %sub3A_301 : vector<16xf32>
      %add3A_303 = arith.addf %add3A_215, %mul3A_302 : vector<16xf32>
      %get3A_304 = arith.index_cast %scan3A_77 : i32 to index
      %get3A_305 = arith.constant 320 : index
      %get3A_306 = tpu.vector_load %arg7[%get3A_304, %get3A_305] {strides = array<i32>} : memref<32x512xf32, #tpu.memory_space<vmem>>, vector<1x16xf32>,
      %get3A_307 = vector.shape_cast %get3A_306 : vector<1x16xf32> to vector<16xf32>
      %get3A_308 = arith.index_cast %scan3A_77 : i32 to index
      %get3A_309 = arith.constant 320 : index
      %get3A_310 = tpu.vector_load %arg8[%get3A_308, %get3A_309] {strides = array<i32>} : memref<32x512xf32, #tpu.memory_space<vmem>>, vector<1x16xf32>,
      %get3A_311 = vector.shape_cast %get3A_310 : vector<1x16xf32> to vector<16xf32>
      %sub3A_312 = arith.subf %get3A_307, %get3A_311 : vector<16xf32>
      %mul3A_313 = arith.mulf %sub3A_312, %sub3A_312 : vector<16xf32>
      %add3A_314 = arith.addf %add3A_226, %mul3A_313 : vector<16xf32>
      %get3A_315 = arith.index_cast %scan3A_77 : i32 to index
      %get3A_316 = arith.constant 336 : index
      %get3A_317 = tpu.vector_load %arg7[%get3A_315, %get3A_316] {strides = array<i32>} : memref<32x512xf32, #tpu.memory_space<vmem>>, vector<1x16xf32>,
      %get3A_318 = vector.shape_cast %get3A_317 : vector<1x16xf32> to vector<16xf32>
      %get3A_319 = arith.index_cast %scan3A_77 : i32 to index
      %get3A_320 = arith.constant 336 : index
      %get3A_321 = tpu.vector_load %arg8[%get3A_319, %get3A_320] {strides = array<i32>} : memref<32x512xf32, #tpu.memory_space<vmem>>, vector<1x16xf32>,
      %get3A_322 = vector.shape_cast %get3A_321 : vector<1x16xf32> to vector<16xf32>
      %sub3A_323 = arith.subf %get3A_318, %get3A_322 : vector<16xf32>
      %mul3A_324 = arith.mulf %sub3A_323, %sub3A_323 : vector<16xf32>
      %add3A_325 = arith.addf %add3A_237, %mul3A_324 : vector<16xf32>
      %get3A_326 = arith.index_cast %scan3A_77 : i32 to index
      %get3A_327 = arith.constant 352 : index
      %get3A_328 = tpu.vector_load %arg7[%get3A_326, %get3A_327] {strides = array<i32>} : memref<32x512xf32, #tpu.memory_space<vmem>>, vector<1x16xf32>,
      %get3A_329 = vector.shape_cast %get3A_328 : vector<1x16xf32> to vector<16xf32>
      %get3A_330 = arith.index_cast %scan3A_77 : i32 to index
      %get3A_331 = arith.constant 352 : index
      %get3A_332 = tpu.vector_load %arg8[%get3A_330, %get3A_331] {strides = array<i32>} : memref<32x512xf32, #tpu.memory_space<vmem>>, vector<1x16xf32>,
      %get3A_333 = vector.shape_cast %get3A_332 : vector<1x16xf32> to vector<16xf32>
      %sub3A_334 = arith.subf %get3A_329, %get3A_333 : vector<16xf32>
      %mul3A_335 = arith.mulf %sub3A_334, %sub3A_334 : vector<16xf32>
      %add3A_336 = arith.addf %add3A_248, %mul3A_335 : vector<16xf32>
      %get3A_337 = arith.index_cast %scan3A_77 : i32 to index
      %get3A_338 = arith.constant 368 : index
      %get3A_339 = tpu.vector_load %arg7[%get3A_337, %get3A_338] {strides = array<i32>} : memref<32x512xf32, #tpu.memory_space<vmem>>, vector<1x16xf32>,
      %get3A_340 = vector.shape_cast %get3A_339 : vector<1x16xf32> to vector<16xf32>
      %get3A_341 = arith.index_cast %scan3A_77 : i32 to index
      %get3A_342 = arith.constant 368 : index
      %get3A_343 = tpu.vector_load %arg8[%get3A_341, %get3A_342] {strides = array<i32>} : memref<32x512xf32, #tpu.memory_space<vmem>>, vector<1x16xf32>,
      %get3A_344 = vector.shape_cast %get3A_343 : vector<1x16xf32> to vector<16xf32>
      %sub3A_345 = arith.subf %get3A_340, %get3A_344 : vector<16xf32>
      %mul3A_346 = arith.mulf %sub3A_345, %sub3A_345 : vector<16xf32>
      %add3A_347 = arith.addf %add3A_259, %mul3A_346 : vector<16xf32>
      %get3A_348 = arith.index_cast %scan3A_77 : i32 to index
      %get3A_349 = arith.constant 384 : index
      %get3A_350 = tpu.vector_load %arg7[%get3A_348, %get3A_349] {strides = array<i32>} : memref<32x512xf32, #tpu.memory_space<vmem>>, vector<1x16xf32>,
      %get3A_351 = vector.shape_cast %get3A_350 : vector<1x16xf32> to vector<16xf32>
      %get3A_352 = arith.index_cast %scan3A_77 : i32 to index
      %get3A_353 = arith.constant 384 : index
      %get3A_354 = tpu.vector_load %arg8[%get3A_352, %get3A_353] {strides = array<i32>} : memref<32x512xf32, #tpu.memory_space<vmem>>, vector<1x16xf32>,
      %get3A_355 = vector.shape_cast %get3A_354 : vector<1x16xf32> to vector<16xf32>
      %sub3A_356 = arith.subf %get3A_351, %get3A_355 : vector<16xf32>
      %mul3A_357 = arith.mulf %sub3A_356, %sub3A_356 : vector<16xf32>
      %add3A_358 = arith.addf %add3A_270, %mul3A_357 : vector<16xf32>
      %get3A_359 = arith.index_cast %scan3A_77 : i32 to index
      %get3A_360 = arith.constant 400 : index
      %get3A_361 = tpu.vector_load %arg7[%get3A_359, %get3A_360] {strides = array<i32>} : memref<32x512xf32, #tpu.memory_space<vmem>>, vector<1x16xf32>,
      %get3A_362 = vector.shape_cast %get3A_361 : vector<1x16xf32> to vector<16xf32>
      %get3A_363 = arith.index_cast %scan3A_77 : i32 to index
      %get3A_364 = arith.constant 400 : index
      %get3A_365 = tpu.vector_load %arg8[%get3A_363, %get3A_364] {strides = array<i32>} : memref<32x512xf32, #tpu.memory_space<vmem>>, vector<1x16xf32>,
      %get3A_366 = vector.shape_cast %get3A_365 : vector<1x16xf32> to vector<16xf32>
      %sub3A_367 = arith.subf %get3A_362, %get3A_366 : vector<16xf32>
      %mul3A_368 = arith.mulf %sub3A_367, %sub3A_367 : vector<16xf32>
      %add3A_369 = arith.addf %add3A_281, %mul3A_368 : vector<16xf32>
      %get3A_370 = arith.index_cast %scan3A_77 : i32 to index
      %get3A_371 = arith.constant 416 : index
      %get3A_372 = tpu.vector_load %arg7[%get3A_370, %get3A_371] {strides = array<i32>} : memref<32x512xf32, #tpu.memory_space<vmem>>, vector<1x16xf32>,
      %get3A_373 = vector.shape_cast %get3A_372 : vector<1x16xf32> to vector<16xf32>
      %get3A_374 = arith.index_cast %scan3A_77 : i32 to index
      %get3A_375 = arith.constant 416 : index
      %get3A_376 = tpu.vector_load %arg8[%get3A_374, %get3A_375] {strides = array<i32>} : memref<32x512xf32, #tpu.memory_space<vmem>>, vector<1x16xf32>,
      %get3A_377 = vector.shape_cast %get3A_376 : vector<1x16xf32> to vector<16xf32>
      %sub3A_378 = arith.subf %get3A_373, %get3A_377 : vector<16xf32>
      %mul3A_379 = arith.mulf %sub3A_378, %sub3A_378 : vector<16xf32>
      %add3A_380 = arith.addf %add3A_292, %mul3A_379 : vector<16xf32>
      %get3A_381 = arith.index_cast %scan3A_77 : i32 to index
      %get3A_382 = arith.constant 432 : index
      %get3A_383 = tpu.vector_load %arg7[%get3A_381, %get3A_382] {strides = array<i32>} : memref<32x512xf32, #tpu.memory_space<vmem>>, vector<1x16xf32>,
      %get3A_384 = vector.shape_cast %get3A_383 : vector<1x16xf32> to vector<16xf32>
      %get3A_385 = arith.index_cast %scan3A_77 : i32 to index
      %get3A_386 = arith.constant 432 : index
      %get3A_387 = tpu.vector_load %arg8[%get3A_385, %get3A_386] {strides = array<i32>} : memref<32x512xf32, #tpu.memory_space<vmem>>, vector<1x16xf32>,
      %get3A_388 = vector.shape_cast %get3A_387 : vector<1x16xf32> to vector<16xf32>
      %sub3A_389 = arith.subf %get3A_384, %get3A_388 : vector<16xf32>
      %mul3A_390 = arith.mulf %sub3A_389, %sub3A_389 : vector<16xf32>
      %add3A_391 = arith.addf %add3A_303, %mul3A_390 : vector<16xf32>
      %get3A_392 = arith.index_cast %scan3A_77 : i32 to index
      %get3A_393 = arith.constant 448 : index
      %get3A_394 = tpu.vector_load %arg7[%get3A_392, %get3A_393] {strides = array<i32>} : memref<32x512xf32, #tpu.memory_space<vmem>>, vector<1x16xf32>,
      %get3A_395 = vector.shape_cast %get3A_394 : vector<1x16xf32> to vector<16xf32>
      %get3A_396 = arith.index_cast %scan3A_77 : i32 to index
      %get3A_397 = arith.constant 448 : index
      %get3A_398 = tpu.vector_load %arg8[%get3A_396, %get3A_397] {strides = array<i32>} : memref<32x512xf32, #tpu.memory_space<vmem>>, vector<1x16xf32>,
      %get3A_399 = vector.shape_cast %get3A_398 : vector<1x16xf32> to vector<16xf32>
      %sub3A_400 = arith.subf %get3A_395, %get3A_399 : vector<16xf32>
      %mul3A_401 = arith.mulf %sub3A_400, %sub3A_400 : vector<16xf32>
      %add3A_402 = arith.addf %add3A_314, %mul3A_401 : vector<16xf32>
      %get3A_403 = arith.index_cast %scan3A_77 : i32 to index
      %get3A_404 = arith.constant 464 : index
      %get3A_405 = tpu.vector_load %arg7[%get3A_403, %get3A_404] {strides = array<i32>} : memref<32x512xf32, #tpu.memory_space<vmem>>, vector<1x16xf32>,
      %get3A_406 = vector.shape_cast %get3A_405 : vector<1x16xf32> to vector<16xf32>
      %get3A_407 = arith.index_cast %scan3A_77 : i32 to index
      %get3A_408 = arith.constant 464 : index
      %get3A_409 = tpu.vector_load %arg8[%get3A_407, %get3A_408] {strides = array<i32>} : memref<32x512xf32, #tpu.memory_space<vmem>>, vector<1x16xf32>,
      %get3A_410 = vector.shape_cast %get3A_409 : vector<1x16xf32> to vector<16xf32>
      %sub3A_411 = arith.subf %get3A_406, %get3A_410 : vector<16xf32>
      %mul3A_412 = arith.mulf %sub3A_411, %sub3A_411 : vector<16xf32>
      %add3A_413 = arith.addf %add3A_325, %mul3A_412 : vector<16xf32>
      %get3A_414 = arith.index_cast %scan3A_77 : i32 to index
      %get3A_415 = arith.constant 480 : index
      %get3A_416 = tpu.vector_load %arg7[%get3A_414, %get3A_415] {strides = array<i32>} : memref<32x512xf32, #tpu.memory_space<vmem>>, vector<1x16xf32>,
      %get3A_417 = vector.shape_cast %get3A_416 : vector<1x16xf32> to vector<16xf32>
      %get3A_418 = arith.index_cast %scan3A_77 : i32 to index
      %get3A_419 = arith.constant 480 : index
      %get3A_420 = tpu.vector_load %arg8[%get3A_418, %get3A_419] {strides = array<i32>} : memref<32x512xf32, #tpu.memory_space<vmem>>, vector<1x16xf32>,
      %get3A_421 = vector.shape_cast %get3A_420 : vector<1x16xf32> to vector<16xf32>
      %sub3A_422 = arith.subf %get3A_417, %get3A_421 : vector<16xf32>
      %mul3A_423 = arith.mulf %sub3A_422, %sub3A_422 : vector<16xf32>
      %add3A_424 = arith.addf %add3A_336, %mul3A_423 : vector<16xf32>
      %get3A_425 = arith.index_cast %scan3A_77 : i32 to index
      %get3A_426 = arith.constant 496 : index
      %get3A_427 = tpu.vector_load %arg7[%get3A_425, %get3A_426] {strides = array<i32>} : memref<32x512xf32, #tpu.memory_space<vmem>>, vector<1x16xf32>,
      %get3A_428 = vector.shape_cast %get3A_427 : vector<1x16xf32> to vector<16xf32>
      %get3A_429 = arith.index_cast %scan3A_77 : i32 to index
      %get3A_430 = arith.constant 496 : index
      %get3A_431 = tpu.vector_load %arg8[%get3A_429, %get3A_430] {strides = array<i32>} : memref<32x512xf32, #tpu.memory_space<vmem>>, vector<1x16xf32>,
      %get3A_432 = vector.shape_cast %get3A_431 : vector<1x16xf32> to vector<16xf32>
      %sub3A_433 = arith.subf %get3A_428, %get3A_432 : vector<16xf32>
      %mul3A_434 = arith.mulf %sub3A_433, %sub3A_433 : vector<16xf32>
      %add3A_435 = arith.addf %add3A_347, %mul3A_434 : vector<16xf32>
      scf.yield %add3A_358, %add3A_369, %add3A_380, %add3A_391, %add3A_402, %add3A_413, %add3A_424, %add3A_435 : vector<16xf32>, vector<16xf32>, vector<16xf32>, vector<16xf32>, vector<16xf32>, vector<16xf32>, vector<16xf32>, vector<16xf32>
    }
    %scan3A_51 = arith.constant 32 : i32
    %dma_wait3A_52 = arith.constant 0 : i32
    %dma_wait3A_53 = tpu.memref_slice %arg2[%add3A_29, %dma_wait3A_52] : memref<4096x512xf32, #tpu.memory_space<hbm>> -> memref<32x512xf32, #tpu.memory_space<hbm>>
    %dma_wait3A_54 = arith.constant 0 : i32
    %dma_wait3A_55 = tpu.memref_slice %arg2[%add3A_29, %dma_wait3A_54] : memref<4096x512xf32, #tpu.memory_space<hbm>> -> memref<32x512xf32, #tpu.memory_space<hbm>>
    tpu.wait_dma2 semaphore(%arg14 : memref<!tpu.dma_semaphore, #tpu.memory_space<semaphore_mem>>) src(%dma_wait3A_55 : memref<32x512xf32, #tpu.memory_space<hbm>>) dst(%arg9 : memref<32x512xf32, #tpu.memory_space<vmem>>)
    %dma_wait3A_56 = arith.constant 32 : i32
    %dma_wait3A_57 = tpu.memref_slice %arg6[%dma_wait3A_56] : memref<64xi32, #tpu.memory_space<vmem>> -> memref<32xi32, #tpu.memory_space<vmem>>
    %dma_wait3A_58 = arith.constant 0 : i32
    %dma_wait3A_59 = arith.constant 0 : i32
    %dma_wait3A_60 = tpu.memref_slice %arg4[%dma_wait3A_58, %dma_wait3A_59] : memref<1000x512xf32, #tpu.memory_space<hbm>> -> memref<1000x512xf32, #tpu.memory_space<hbm>>
    tpu.wait_indirect_dma semaphore(%arg15 : memref<!tpu.dma_semaphore, #tpu.memory_space<semaphore_mem>>) src(%dma_wait3A_60 : memref<1000x512xf32, #tpu.memory_space<hbm>>) dst(%arg10 : memref<32x512xf32, #tpu.memory_space<vmem>>)
    %scan3A_61 = arith.constant 0 : i32
    %scan3A_62 = arith.constant 32 : i32
    %scan3A_63 = arith.addi %scan3A_61, %scan3A_62 : i32
    %scan3A_64 = arith.constant 1 : i32
    %scan3A_65:8 = scf.for %scan3A_77 = %scan3A_61 to %scan3A_63 step %scan3A_64 iter_args(%scan3A_78 = %scan3A_50#0, %scan3A_79 = %scan3A_50#1, %scan3A_80 = %scan3A_50#2, %scan3A_81 = %scan3A_50#3, %scan3A_82 = %scan3A_50#4, %scan3A_83 = %scan3A_50#5, %scan3A_84 = %scan3A_50#6, %scan3A_85 = %scan3A_50#7) -> (vector<16xf32>, vector<16xf32>, vector<16xf32>, vector<16xf32>, vector<16xf32>, vector<16xf32>, vector<16xf32>, vector<16xf32>)  : i32 {
      %get3A = arith.index_cast %scan3A_77 : i32 to index
      %get3A_86 = arith.constant 0 : index
      %get3A_87 = tpu.vector_load %arg9[%get3A, %get3A_86] {strides = array<i32>} : memref<32x512xf32, #tpu.memory_space<vmem>>, vector<1x16xf32>,
      %get3A_88 = vector.shape_cast %get3A_87 : vector<1x16xf32> to vector<16xf32>
      %get3A_89 = arith.index_cast %scan3A_77 : i32 to index
      %get3A_90 = arith.constant 0 : index
      %get3A_91 = tpu.vector_load %arg10[%get3A_89, %get3A_90] {strides = array<i32>} : memref<32x512xf32, #tpu.memory_space<vmem>>, vector<1x16xf32>,
      %get3A_92 = vector.shape_cast %get3A_91 : vector<1x16xf32> to vector<16xf32>
      %sub3A = arith.subf %get3A_88, %get3A_92 : vector<16xf32>
      %mul3A_93 = arith.mulf %sub3A, %sub3A : vector<16xf32>
      %add3A_94 = arith.addf %scan3A_78, %mul3A_93 : vector<16xf32>
      %get3A_95 = arith.index_cast %scan3A_77 : i32 to index
      %get3A_96 = arith.constant 16 : index
      %get3A_97 = tpu.vector_load %arg9[%get3A_95, %get3A_96] {strides = array<i32>} : memref<32x512xf32, #tpu.memory_space<vmem>>, vector<1x16xf32>,
      %get3A_98 = vector.shape_cast %get3A_97 : vector<1x16xf32> to vector<16xf32>
      %get3A_99 = arith.index_cast %scan3A_77 : i32 to index
      %get3A_100 = arith.constant 16 : index
      %get3A_101 = tpu.vector_load %arg10[%get3A_99, %get3A_100] {strides = array<i32>} : memref<32x512xf32, #tpu.memory_space<vmem>>, vector<1x16xf32>,
      %get3A_102 = vector.shape_cast %get3A_101 : vector<1x16xf32> to vector<16xf32>
      %sub3A_103 = arith.subf %get3A_98, %get3A_102 : vector<16xf32>
      %mul3A_104 = arith.mulf %sub3A_103, %sub3A_103 : vector<16xf32>
      %add3A_105 = arith.addf %scan3A_79, %mul3A_104 : vector<16xf32>
      %get3A_106 = arith.index_cast %scan3A_77 : i32 to index
      %get3A_107 = arith.constant 32 : index
      %get3A_108 = tpu.vector_load %arg9[%get3A_106, %get3A_107] {strides = array<i32>} : memref<32x512xf32, #tpu.memory_space<vmem>>, vector<1x16xf32>,
      %get3A_109 = vector.shape_cast %get3A_108 : vector<1x16xf32> to vector<16xf32>
      %get3A_110 = arith.index_cast %scan3A_77 : i32 to index
      %get3A_111 = arith.constant 32 : index
      %get3A_112 = tpu.vector_load %arg10[%get3A_110, %get3A_111] {strides = array<i32>} : memref<32x512xf32, #tpu.memory_space<vmem>>, vector<1x16xf32>,
      %get3A_113 = vector.shape_cast %get3A_112 : vector<1x16xf32> to vector<16xf32>
      %sub3A_114 = arith.subf %get3A_109, %get3A_113 : vector<16xf32>
      %mul3A_115 = arith.mulf %sub3A_114, %sub3A_114 : vector<16xf32>
      %add3A_116 = arith.addf %scan3A_80, %mul3A_115 : vector<16xf32>
      %get3A_117 = arith.index_cast %scan3A_77 : i32 to index
      %get3A_118 = arith.constant 48 : index
      %get3A_119 = tpu.vector_load %arg9[%get3A_117, %get3A_118] {strides = array<i32>} : memref<32x512xf32, #tpu.memory_space<vmem>>, vector<1x16xf32>,
      %get3A_120 = vector.shape_cast %get3A_119 : vector<1x16xf32> to vector<16xf32>
      %get3A_121 = arith.index_cast %scan3A_77 : i32 to index
      %get3A_122 = arith.constant 48 : index
      %get3A_123 = tpu.vector_load %arg10[%get3A_121, %get3A_122] {strides = array<i32>} : memref<32x512xf32, #tpu.memory_space<vmem>>, vector<1x16xf32>,
      %get3A_124 = vector.shape_cast %get3A_123 : vector<1x16xf32> to vector<16xf32>
      %sub3A_125 = arith.subf %get3A_120, %get3A_124 : vector<16xf32>
      %mul3A_126 = arith.mulf %sub3A_125, %sub3A_125 : vector<16xf32>
      %add3A_127 = arith.addf %scan3A_81, %mul3A_126 : vector<16xf32>
      %get3A_128 = arith.index_cast %scan3A_77 : i32 to index
      %get3A_129 = arith.constant 64 : index
      %get3A_130 = tpu.vector_load %arg9[%get3A_128, %get3A_129] {strides = array<i32>} : memref<32x512xf32, #tpu.memory_space<vmem>>, vector<1x16xf32>,
      %get3A_131 = vector.shape_cast %get3A_130 : vector<1x16xf32> to vector<16xf32>
      %get3A_132 = arith.index_cast %scan3A_77 : i32 to index
      %get3A_133 = arith.constant 64 : index
      %get3A_134 = tpu.vector_load %arg10[%get3A_132, %get3A_133] {strides = array<i32>} : memref<32x512xf32, #tpu.memory_space<vmem>>, vector<1x16xf32>,
      %get3A_135 = vector.shape_cast %get3A_134 : vector<1x16xf32> to vector<16xf32>
      %sub3A_136 = arith.subf %get3A_131, %get3A_135 : vector<16xf32>
      %mul3A_137 = arith.mulf %sub3A_136, %sub3A_136 : vector<16xf32>
      %add3A_138 = arith.addf %scan3A_82, %mul3A_137 : vector<16xf32>
      %get3A_139 = arith.index_cast %scan3A_77 : i32 to index
      %get3A_140 = arith.constant 80 : index
      %get3A_141 = tpu.vector_load %arg9[%get3A_139, %get3A_140] {strides = array<i32>} : memref<32x512xf32, #tpu.memory_space<vmem>>, vector<1x16xf32>,
      %get3A_142 = vector.shape_cast %get3A_141 : vector<1x16xf32> to vector<16xf32>
      %get3A_143 = arith.index_cast %scan3A_77 : i32 to index
      %get3A_144 = arith.constant 80 : index
      %get3A_145 = tpu.vector_load %arg10[%get3A_143, %get3A_144] {strides = array<i32>} : memref<32x512xf32, #tpu.memory_space<vmem>>, vector<1x16xf32>,
      %get3A_146 = vector.shape_cast %get3A_145 : vector<1x16xf32> to vector<16xf32>
      %sub3A_147 = arith.subf %get3A_142, %get3A_146 : vector<16xf32>
      %mul3A_148 = arith.mulf %sub3A_147, %sub3A_147 : vector<16xf32>
      %add3A_149 = arith.addf %scan3A_83, %mul3A_148 : vector<16xf32>
      %get3A_150 = arith.index_cast %scan3A_77 : i32 to index
      %get3A_151 = arith.constant 96 : index
      %get3A_152 = tpu.vector_load %arg9[%get3A_150, %get3A_151] {strides = array<i32>} : memref<32x512xf32, #tpu.memory_space<vmem>>, vector<1x16xf32>,
      %get3A_153 = vector.shape_cast %get3A_152 : vector<1x16xf32> to vector<16xf32>
      %get3A_154 = arith.index_cast %scan3A_77 : i32 to index
      %get3A_155 = arith.constant 96 : index
      %get3A_156 = tpu.vector_load %arg10[%get3A_154, %get3A_155] {strides = array<i32>} : memref<32x512xf32, #tpu.memory_space<vmem>>, vector<1x16xf32>,
      %get3A_157 = vector.shape_cast %get3A_156 : vector<1x16xf32> to vector<16xf32>
      %sub3A_158 = arith.subf %get3A_153, %get3A_157 : vector<16xf32>
      %mul3A_159 = arith.mulf %sub3A_158, %sub3A_158 : vector<16xf32>
      %add3A_160 = arith.addf %scan3A_84, %mul3A_159 : vector<16xf32>
      %get3A_161 = arith.index_cast %scan3A_77 : i32 to index
      %get3A_162 = arith.constant 112 : index
      %get3A_163 = tpu.vector_load %arg9[%get3A_161, %get3A_162] {strides = array<i32>} : memref<32x512xf32, #tpu.memory_space<vmem>>, vector<1x16xf32>,
      %get3A_164 = vector.shape_cast %get3A_163 : vector<1x16xf32> to vector<16xf32>
      %get3A_165 = arith.index_cast %scan3A_77 : i32 to index
      %get3A_166 = arith.constant 112 : index
      %get3A_167 = tpu.vector_load %arg10[%get3A_165, %get3A_166] {strides = array<i32>} : memref<32x512xf32, #tpu.memory_space<vmem>>, vector<1x16xf32>,
      %get3A_168 = vector.shape_cast %get3A_167 : vector<1x16xf32> to vector<16xf32>
      %sub3A_169 = arith.subf %get3A_164, %get3A_168 : vector<16xf32>
      %mul3A_170 = arith.mulf %sub3A_169, %sub3A_169 : vector<16xf32>
      %add3A_171 = arith.addf %scan3A_85, %mul3A_170 : vector<16xf32>
      %get3A_172 = arith.index_cast %scan3A_77 : i32 to index
      %get3A_173 = arith.constant 128 : index
      %get3A_174 = tpu.vector_load %arg9[%get3A_172, %get3A_173] {strides = array<i32>} : memref<32x512xf32, #tpu.memory_space<vmem>>, vector<1x16xf32>,
      %get3A_175 = vector.shape_cast %get3A_174 : vector<1x16xf32> to vector<16xf32>
      %get3A_176 = arith.index_cast %scan3A_77 : i32 to index
      %get3A_177 = arith.constant 128 : index
      %get3A_178 = tpu.vector_load %arg10[%get3A_176, %get3A_177] {strides = array<i32>} : memref<32x512xf32, #tpu.memory_space<vmem>>, vector<1x16xf32>,
      %get3A_179 = vector.shape_cast %get3A_178 : vector<1x16xf32> to vector<16xf32>
      %sub3A_180 = arith.subf %get3A_175, %get3A_179 : vector<16xf32>
      %mul3A_181 = arith.mulf %sub3A_180, %sub3A_180 : vector<16xf32>
      %add3A_182 = arith.addf %add3A_94, %mul3A_181 : vector<16xf32>
      %get3A_183 = arith.index_cast %scan3A_77 : i32 to index
      %get3A_184 = arith.constant 144 : index
      %get3A_185 = tpu.vector_load %arg9[%get3A_183, %get3A_184] {strides = array<i32>} : memref<32x512xf32, #tpu.memory_space<vmem>>, vector<1x16xf32>,
      %get3A_186 = vector.shape_cast %get3A_185 : vector<1x16xf32> to vector<16xf32>
      %get3A_187 = arith.index_cast %scan3A_77 : i32 to index
      %get3A_188 = arith.constant 144 : index
      %get3A_189 = tpu.vector_load %arg10[%get3A_187, %get3A_188] {strides = array<i32>} : memref<32x512xf32, #tpu.memory_space<vmem>>, vector<1x16xf32>,
      %get3A_190 = vector.shape_cast %get3A_189 : vector<1x16xf32> to vector<16xf32>
      %sub3A_191 = arith.subf %get3A_186, %get3A_190 : vector<16xf32>
      %mul3A_192 = arith.mulf %sub3A_191, %sub3A_191 : vector<16xf32>
      %add3A_193 = arith.addf %add3A_105, %mul3A_192 : vector<16xf32>
      %get3A_194 = arith.index_cast %scan3A_77 : i32 to index
      %get3A_195 = arith.constant 160 : index
      %get3A_196 = tpu.vector_load %arg9[%get3A_194, %get3A_195] {strides = array<i32>} : memref<32x512xf32, #tpu.memory_space<vmem>>, vector<1x16xf32>,
      %get3A_197 = vector.shape_cast %get3A_196 : vector<1x16xf32> to vector<16xf32>
      %get3A_198 = arith.index_cast %scan3A_77 : i32 to index
      %get3A_199 = arith.constant 160 : index
      %get3A_200 = tpu.vector_load %arg10[%get3A_198, %get3A_199] {strides = array<i32>} : memref<32x512xf32, #tpu.memory_space<vmem>>, vector<1x16xf32>,
      %get3A_201 = vector.shape_cast %get3A_200 : vector<1x16xf32> to vector<16xf32>
      %sub3A_202 = arith.subf %get3A_197, %get3A_201 : vector<16xf32>
      %mul3A_203 = arith.mulf %sub3A_202, %sub3A_202 : vector<16xf32>
      %add3A_204 = arith.addf %add3A_116, %mul3A_203 : vector<16xf32>
      %get3A_205 = arith.index_cast %scan3A_77 : i32 to index
      %get3A_206 = arith.constant 176 : index
      %get3A_207 = tpu.vector_load %arg9[%get3A_205, %get3A_206] {strides = array<i32>} : memref<32x512xf32, #tpu.memory_space<vmem>>, vector<1x16xf32>,
      %get3A_208 = vector.shape_cast %get3A_207 : vector<1x16xf32> to vector<16xf32>
      %get3A_209 = arith.index_cast %scan3A_77 : i32 to index
      %get3A_210 = arith.constant 176 : index
      %get3A_211 = tpu.vector_load %arg10[%get3A_209, %get3A_210] {strides = array<i32>} : memref<32x512xf32, #tpu.memory_space<vmem>>, vector<1x16xf32>,
      %get3A_212 = vector.shape_cast %get3A_211 : vector<1x16xf32> to vector<16xf32>
      %sub3A_213 = arith.subf %get3A_208, %get3A_212 : vector<16xf32>
      %mul3A_214 = arith.mulf %sub3A_213, %sub3A_213 : vector<16xf32>
      %add3A_215 = arith.addf %add3A_127, %mul3A_214 : vector<16xf32>
      %get3A_216 = arith.index_cast %scan3A_77 : i32 to index
      %get3A_217 = arith.constant 192 : index
      %get3A_218 = tpu.vector_load %arg9[%get3A_216, %get3A_217] {strides = array<i32>} : memref<32x512xf32, #tpu.memory_space<vmem>>, vector<1x16xf32>,
      %get3A_219 = vector.shape_cast %get3A_218 : vector<1x16xf32> to vector<16xf32>
      %get3A_220 = arith.index_cast %scan3A_77 : i32 to index
      %get3A_221 = arith.constant 192 : index
      %get3A_222 = tpu.vector_load %arg10[%get3A_220, %get3A_221] {strides = array<i32>} : memref<32x512xf32, #tpu.memory_space<vmem>>, vector<1x16xf32>,
      %get3A_223 = vector.shape_cast %get3A_222 : vector<1x16xf32> to vector<16xf32>
      %sub3A_224 = arith.subf %get3A_219, %get3A_223 : vector<16xf32>
      %mul3A_225 = arith.mulf %sub3A_224, %sub3A_224 : vector<16xf32>
      %add3A_226 = arith.addf %add3A_138, %mul3A_225 : vector<16xf32>
      %get3A_227 = arith.index_cast %scan3A_77 : i32 to index
      %get3A_228 = arith.constant 208 : index
      %get3A_229 = tpu.vector_load %arg9[%get3A_227, %get3A_228] {strides = array<i32>} : memref<32x512xf32, #tpu.memory_space<vmem>>, vector<1x16xf32>,
      %get3A_230 = vector.shape_cast %get3A_229 : vector<1x16xf32> to vector<16xf32>
      %get3A_231 = arith.index_cast %scan3A_77 : i32 to index
      %get3A_232 = arith.constant 208 : index
      %get3A_233 = tpu.vector_load %arg10[%get3A_231, %get3A_232] {strides = array<i32>} : memref<32x512xf32, #tpu.memory_space<vmem>>, vector<1x16xf32>,
      %get3A_234 = vector.shape_cast %get3A_233 : vector<1x16xf32> to vector<16xf32>
      %sub3A_235 = arith.subf %get3A_230, %get3A_234 : vector<16xf32>
      %mul3A_236 = arith.mulf %sub3A_235, %sub3A_235 : vector<16xf32>
      %add3A_237 = arith.addf %add3A_149, %mul3A_236 : vector<16xf32>
      %get3A_238 = arith.index_cast %scan3A_77 : i32 to index
      %get3A_239 = arith.constant 224 : index
      %get3A_240 = tpu.vector_load %arg9[%get3A_238, %get3A_239] {strides = array<i32>} : memref<32x512xf32, #tpu.memory_space<vmem>>, vector<1x16xf32>,
      %get3A_241 = vector.shape_cast %get3A_240 : vector<1x16xf32> to vector<16xf32>
      %get3A_242 = arith.index_cast %scan3A_77 : i32 to index
      %get3A_243 = arith.constant 224 : index
      %get3A_244 = tpu.vector_load %arg10[%get3A_242, %get3A_243] {strides = array<i32>} : memref<32x512xf32, #tpu.memory_space<vmem>>, vector<1x16xf32>,
      %get3A_245 = vector.shape_cast %get3A_244 : vector<1x16xf32> to vector<16xf32>
      %sub3A_246 = arith.subf %get3A_241, %get3A_245 : vector<16xf32>
      %mul3A_247 = arith.mulf %sub3A_246, %sub3A_246 : vector<16xf32>
      %add3A_248 = arith.addf %add3A_160, %mul3A_247 : vector<16xf32>
      %get3A_249 = arith.index_cast %scan3A_77 : i32 to index
      %get3A_250 = arith.constant 240 : index
      %get3A_251 = tpu.vector_load %arg9[%get3A_249, %get3A_250] {strides = array<i32>} : memref<32x512xf32, #tpu.memory_space<vmem>>, vector<1x16xf32>,
      %get3A_252 = vector.shape_cast %get3A_251 : vector<1x16xf32> to vector<16xf32>
      %get3A_253 = arith.index_cast %scan3A_77 : i32 to index
      %get3A_254 = arith.constant 240 : index
      %get3A_255 = tpu.vector_load %arg10[%get3A_253, %get3A_254] {strides = array<i32>} : memref<32x512xf32, #tpu.memory_space<vmem>>, vector<1x16xf32>,
      %get3A_256 = vector.shape_cast %get3A_255 : vector<1x16xf32> to vector<16xf32>
      %sub3A_257 = arith.subf %get3A_252, %get3A_256 : vector<16xf32>
      %mul3A_258 = arith.mulf %sub3A_257, %sub3A_257 : vector<16xf32>
      %add3A_259 = arith.addf %add3A_171, %mul3A_258 : vector<16xf32>
      %get3A_260 = arith.index_cast %scan3A_77 : i32 to index
      %get3A_261 = arith.constant 256 : index
      %get3A_262 = tpu.vector_load %arg9[%get3A_260, %get3A_261] {strides = array<i32>} : memref<32x512xf32, #tpu.memory_space<vmem>>, vector<1x16xf32>,
      %get3A_263 = vector.shape_cast %get3A_262 : vector<1x16xf32> to vector<16xf32>
      %get3A_264 = arith.index_cast %scan3A_77 : i32 to index
      %get3A_265 = arith.constant 256 : index
      %get3A_266 = tpu.vector_load %arg10[%get3A_264, %get3A_265] {strides = array<i32>} : memref<32x512xf32, #tpu.memory_space<vmem>>, vector<1x16xf32>,
      %get3A_267 = vector.shape_cast %get3A_266 : vector<1x16xf32> to vector<16xf32>
      %sub3A_268 = arith.subf %get3A_263, %get3A_267 : vector<16xf32>
      %mul3A_269 = arith.mulf %sub3A_268, %sub3A_268 : vector<16xf32>
      %add3A_270 = arith.addf %add3A_182, %mul3A_269 : vector<16xf32>
      %get3A_271 = arith.index_cast %scan3A_77 : i32 to index
      %get3A_272 = arith.constant 272 : index
      %get3A_273 = tpu.vector_load %arg9[%get3A_271, %get3A_272] {strides = array<i32>} : memref<32x512xf32, #tpu.memory_space<vmem>>, vector<1x16xf32>,
      %get3A_274 = vector.shape_cast %get3A_273 : vector<1x16xf32> to vector<16xf32>
      %get3A_275 = arith.index_cast %scan3A_77 : i32 to index
      %get3A_276 = arith.constant 272 : index
      %get3A_277 = tpu.vector_load %arg10[%get3A_275, %get3A_276] {strides = array<i32>} : memref<32x512xf32, #tpu.memory_space<vmem>>, vector<1x16xf32>,
      %get3A_278 = vector.shape_cast %get3A_277 : vector<1x16xf32> to vector<16xf32>
      %sub3A_279 = arith.subf %get3A_274, %get3A_278 : vector<16xf32>
      %mul3A_280 = arith.mulf %sub3A_279, %sub3A_279 : vector<16xf32>
      %add3A_281 = arith.addf %add3A_193, %mul3A_280 : vector<16xf32>
      %get3A_282 = arith.index_cast %scan3A_77 : i32 to index
      %get3A_283 = arith.constant 288 : index
      %get3A_284 = tpu.vector_load %arg9[%get3A_282, %get3A_283] {strides = array<i32>} : memref<32x512xf32, #tpu.memory_space<vmem>>, vector<1x16xf32>,
      %get3A_285 = vector.shape_cast %get3A_284 : vector<1x16xf32> to vector<16xf32>
      %get3A_286 = arith.index_cast %scan3A_77 : i32 to index
      %get3A_287 = arith.constant 288 : index
      %get3A_288 = tpu.vector_load %arg10[%get3A_286, %get3A_287] {strides = array<i32>} : memref<32x512xf32, #tpu.memory_space<vmem>>, vector<1x16xf32>,
      %get3A_289 = vector.shape_cast %get3A_288 : vector<1x16xf32> to vector<16xf32>
      %sub3A_290 = arith.subf %get3A_285, %get3A_289 : vector<16xf32>
      %mul3A_291 = arith.mulf %sub3A_290, %sub3A_290 : vector<16xf32>
      %add3A_292 = arith.addf %add3A_204, %mul3A_291 : vector<16xf32>
      %get3A_293 = arith.index_cast %scan3A_77 : i32 to index
      %get3A_294 = arith.constant 304 : index
      %get3A_295 = tpu.vector_load %arg9[%get3A_293, %get3A_294] {strides = array<i32>} : memref<32x512xf32, #tpu.memory_space<vmem>>, vector<1x16xf32>,
      %get3A_296 = vector.shape_cast %get3A_295 : vector<1x16xf32> to vector<16xf32>
      %get3A_297 = arith.index_cast %scan3A_77 : i32 to index
      %get3A_298 = arith.constant 304 : index
      %get3A_299 = tpu.vector_load %arg10[%get3A_297, %get3A_298] {strides = array<i32>} : memref<32x512xf32, #tpu.memory_space<vmem>>, vector<1x16xf32>,
      %get3A_300 = vector.shape_cast %get3A_299 : vector<1x16xf32> to vector<16xf32>
      %sub3A_301 = arith.subf %get3A_296, %get3A_300 : vector<16xf32>
      %mul3A_302 = arith.mulf %sub3A_301, %sub3A_301 : vector<16xf32>
      %add3A_303 = arith.addf %add3A_215, %mul3A_302 : vector<16xf32>
      %get3A_304 = arith.index_cast %scan3A_77 : i32 to index
      %get3A_305 = arith.constant 320 : index
      %get3A_306 = tpu.vector_load %arg9[%get3A_304, %get3A_305] {strides = array<i32>} : memref<32x512xf32, #tpu.memory_space<vmem>>, vector<1x16xf32>,
      %get3A_307 = vector.shape_cast %get3A_306 : vector<1x16xf32> to vector<16xf32>
      %get3A_308 = arith.index_cast %scan3A_77 : i32 to index
      %get3A_309 = arith.constant 320 : index
      %get3A_310 = tpu.vector_load %arg10[%get3A_308, %get3A_309] {strides = array<i32>} : memref<32x512xf32, #tpu.memory_space<vmem>>, vector<1x16xf32>,
      %get3A_311 = vector.shape_cast %get3A_310 : vector<1x16xf32> to vector<16xf32>
      %sub3A_312 = arith.subf %get3A_307, %get3A_311 : vector<16xf32>
      %mul3A_313 = arith.mulf %sub3A_312, %sub3A_312 : vector<16xf32>
      %add3A_314 = arith.addf %add3A_226, %mul3A_313 : vector<16xf32>
      %get3A_315 = arith.index_cast %scan3A_77 : i32 to index
      %get3A_316 = arith.constant 336 : index
      %get3A_317 = tpu.vector_load %arg9[%get3A_315, %get3A_316] {strides = array<i32>} : memref<32x512xf32, #tpu.memory_space<vmem>>, vector<1x16xf32>,
      %get3A_318 = vector.shape_cast %get3A_317 : vector<1x16xf32> to vector<16xf32>
      %get3A_319 = arith.index_cast %scan3A_77 : i32 to index
      %get3A_320 = arith.constant 336 : index
      %get3A_321 = tpu.vector_load %arg10[%get3A_319, %get3A_320] {strides = array<i32>} : memref<32x512xf32, #tpu.memory_space<vmem>>, vector<1x16xf32>,
      %get3A_322 = vector.shape_cast %get3A_321 : vector<1x16xf32> to vector<16xf32>
      %sub3A_323 = arith.subf %get3A_318, %get3A_322 : vector<16xf32>
      %mul3A_324 = arith.mulf %sub3A_323, %sub3A_323 : vector<16xf32>
      %add3A_325 = arith.addf %add3A_237, %mul3A_324 : vector<16xf32>
      %get3A_326 = arith.index_cast %scan3A_77 : i32 to index
      %get3A_327 = arith.constant 352 : index
      %get3A_328 = tpu.vector_load %arg9[%get3A_326, %get3A_327] {strides = array<i32>} : memref<32x512xf32, #tpu.memory_space<vmem>>, vector<1x16xf32>,
      %get3A_329 = vector.shape_cast %get3A_328 : vector<1x16xf32> to vector<16xf32>
      %get3A_330 = arith.index_cast %scan3A_77 : i32 to index
      %get3A_331 = arith.constant 352 : index
      %get3A_332 = tpu.vector_load %arg10[%get3A_330, %get3A_331] {strides = array<i32>} : memref<32x512xf32, #tpu.memory_space<vmem>>, vector<1x16xf32>,
      %get3A_333 = vector.shape_cast %get3A_332 : vector<1x16xf32> to vector<16xf32>
      %sub3A_334 = arith.subf %get3A_329, %get3A_333 : vector<16xf32>
      %mul3A_335 = arith.mulf %sub3A_334, %sub3A_334 : vector<16xf32>
      %add3A_336 = arith.addf %add3A_248, %mul3A_335 : vector<16xf32>
      %get3A_337 = arith.index_cast %scan3A_77 : i32 to index
      %get3A_338 = arith.constant 368 : index
      %get3A_339 = tpu.vector_load %arg9[%get3A_337, %get3A_338] {strides = array<i32>} : memref<32x512xf32, #tpu.memory_space<vmem>>, vector<1x16xf32>,
      %get3A_340 = vector.shape_cast %get3A_339 : vector<1x16xf32> to vector<16xf32>
      %get3A_341 = arith.index_cast %scan3A_77 : i32 to index
      %get3A_342 = arith.constant 368 : index
      %get3A_343 = tpu.vector_load %arg10[%get3A_341, %get3A_342] {strides = array<i32>} : memref<32x512xf32, #tpu.memory_space<vmem>>, vector<1x16xf32>,
      %get3A_344 = vector.shape_cast %get3A_343 : vector<1x16xf32> to vector<16xf32>
      %sub3A_345 = arith.subf %get3A_340, %get3A_344 : vector<16xf32>
      %mul3A_346 = arith.mulf %sub3A_345, %sub3A_345 : vector<16xf32>
      %add3A_347 = arith.addf %add3A_259, %mul3A_346 : vector<16xf32>
      %get3A_348 = arith.index_cast %scan3A_77 : i32 to index
      %get3A_349 = arith.constant 384 : index
      %get3A_350 = tpu.vector_load %arg9[%get3A_348, %get3A_349] {strides = array<i32>} : memref<32x512xf32, #tpu.memory_space<vmem>>, vector<1x16xf32>,
      %get3A_351 = vector.shape_cast %get3A_350 : vector<1x16xf32> to vector<16xf32>
      %get3A_352 = arith.index_cast %scan3A_77 : i32 to index
      %get3A_353 = arith.constant 384 : index
      %get3A_354 = tpu.vector_load %arg10[%get3A_352, %get3A_353] {strides = array<i32>} : memref<32x512xf32, #tpu.memory_space<vmem>>, vector<1x16xf32>,
      %get3A_355 = vector.shape_cast %get3A_354 : vector<1x16xf32> to vector<16xf32>
      %sub3A_356 = arith.subf %get3A_351, %get3A_355 : vector<16xf32>
      %mul3A_357 = arith.mulf %sub3A_356, %sub3A_356 : vector<16xf32>
      %add3A_358 = arith.addf %add3A_270, %mul3A_357 : vector<16xf32>
      %get3A_359 = arith.index_cast %scan3A_77 : i32 to index
      %get3A_360 = arith.constant 400 : index
      %get3A_361 = tpu.vector_load %arg9[%get3A_359, %get3A_360] {strides = array<i32>} : memref<32x512xf32, #tpu.memory_space<vmem>>, vector<1x16xf32>,
      %get3A_362 = vector.shape_cast %get3A_361 : vector<1x16xf32> to vector<16xf32>
      %get3A_363 = arith.index_cast %scan3A_77 : i32 to index
      %get3A_364 = arith.constant 400 : index
      %get3A_365 = tpu.vector_load %arg10[%get3A_363, %get3A_364] {strides = array<i32>} : memref<32x512xf32, #tpu.memory_space<vmem>>, vector<1x16xf32>,
      %get3A_366 = vector.shape_cast %get3A_365 : vector<1x16xf32> to vector<16xf32>
      %sub3A_367 = arith.subf %get3A_362, %get3A_366 : vector<16xf32>
      %mul3A_368 = arith.mulf %sub3A_367, %sub3A_367 : vector<16xf32>
      %add3A_369 = arith.addf %add3A_281, %mul3A_368 : vector<16xf32>
      %get3A_370 = arith.index_cast %scan3A_77 : i32 to index
      %get3A_371 = arith.constant 416 : index
      %get3A_372 = tpu.vector_load %arg9[%get3A_370, %get3A_371] {strides = array<i32>} : memref<32x512xf32, #tpu.memory_space<vmem>>, vector<1x16xf32>,
      %get3A_373 = vector.shape_cast %get3A_372 : vector<1x16xf32> to vector<16xf32>
      %get3A_374 = arith.index_cast %scan3A_77 : i32 to index
      %get3A_375 = arith.constant 416 : index
      %get3A_376 = tpu.vector_load %arg10[%get3A_374, %get3A_375] {strides = array<i32>} : memref<32x512xf32, #tpu.memory_space<vmem>>, vector<1x16xf32>,
      %get3A_377 = vector.shape_cast %get3A_376 : vector<1x16xf32> to vector<16xf32>
      %sub3A_378 = arith.subf %get3A_373, %get3A_377 : vector<16xf32>
      %mul3A_379 = arith.mulf %sub3A_378, %sub3A_378 : vector<16xf32>
      %add3A_380 = arith.addf %add3A_292, %mul3A_379 : vector<16xf32>
      %get3A_381 = arith.index_cast %scan3A_77 : i32 to index
      %get3A_382 = arith.constant 432 : index
      %get3A_383 = tpu.vector_load %arg9[%get3A_381, %get3A_382] {strides = array<i32>} : memref<32x512xf32, #tpu.memory_space<vmem>>, vector<1x16xf32>,
      %get3A_384 = vector.shape_cast %get3A_383 : vector<1x16xf32> to vector<16xf32>
      %get3A_385 = arith.index_cast %scan3A_77 : i32 to index
      %get3A_386 = arith.constant 432 : index
      %get3A_387 = tpu.vector_load %arg10[%get3A_385, %get3A_386] {strides = array<i32>} : memref<32x512xf32, #tpu.memory_space<vmem>>, vector<1x16xf32>,
      %get3A_388 = vector.shape_cast %get3A_387 : vector<1x16xf32> to vector<16xf32>
      %sub3A_389 = arith.subf %get3A_384, %get3A_388 : vector<16xf32>
      %mul3A_390 = arith.mulf %sub3A_389, %sub3A_389 : vector<16xf32>
      %add3A_391 = arith.addf %add3A_303, %mul3A_390 : vector<16xf32>
      %get3A_392 = arith.index_cast %scan3A_77 : i32 to index
      %get3A_393 = arith.constant 448 : index
      %get3A_394 = tpu.vector_load %arg9[%get3A_392, %get3A_393] {strides = array<i32>} : memref<32x512xf32, #tpu.memory_space<vmem>>, vector<1x16xf32>,
      %get3A_395 = vector.shape_cast %get3A_394 : vector<1x16xf32> to vector<16xf32>
      %get3A_396 = arith.index_cast %scan3A_77 : i32 to index
      %get3A_397 = arith.constant 448 : index
      %get3A_398 = tpu.vector_load %arg10[%get3A_396, %get3A_397] {strides = array<i32>} : memref<32x512xf32, #tpu.memory_space<vmem>>, vector<1x16xf32>,
      %get3A_399 = vector.shape_cast %get3A_398 : vector<1x16xf32> to vector<16xf32>
      %sub3A_400 = arith.subf %get3A_395, %get3A_399 : vector<16xf32>
      %mul3A_401 = arith.mulf %sub3A_400, %sub3A_400 : vector<16xf32>
      %add3A_402 = arith.addf %add3A_314, %mul3A_401 : vector<16xf32>
      %get3A_403 = arith.index_cast %scan3A_77 : i32 to index
      %get3A_404 = arith.constant 464 : index
      %get3A_405 = tpu.vector_load %arg9[%get3A_403, %get3A_404] {strides = array<i32>} : memref<32x512xf32, #tpu.memory_space<vmem>>, vector<1x16xf32>,
      %get3A_406 = vector.shape_cast %get3A_405 : vector<1x16xf32> to vector<16xf32>
      %get3A_407 = arith.index_cast %scan3A_77 : i32 to index
      %get3A_408 = arith.constant 464 : index
      %get3A_409 = tpu.vector_load %arg10[%get3A_407, %get3A_408] {strides = array<i32>} : memref<32x512xf32, #tpu.memory_space<vmem>>, vector<1x16xf32>,
      %get3A_410 = vector.shape_cast %get3A_409 : vector<1x16xf32> to vector<16xf32>
      %sub3A_411 = arith.subf %get3A_406, %get3A_410 : vector<16xf32>
      %mul3A_412 = arith.mulf %sub3A_411, %sub3A_411 : vector<16xf32>
      %add3A_413 = arith.addf %add3A_325, %mul3A_412 : vector<16xf32>
      %get3A_414 = arith.index_cast %scan3A_77 : i32 to index
      %get3A_415 = arith.constant 480 : index
      %get3A_416 = tpu.vector_load %arg9[%get3A_414, %get3A_415] {strides = array<i32>} : memref<32x512xf32, #tpu.memory_space<vmem>>, vector<1x16xf32>,
      %get3A_417 = vector.shape_cast %get3A_416 : vector<1x16xf32> to vector<16xf32>
      %get3A_418 = arith.index_cast %scan3A_77 : i32 to index
      %get3A_419 = arith.constant 480 : index
      %get3A_420 = tpu.vector_load %arg10[%get3A_418, %get3A_419] {strides = array<i32>} : memref<32x512xf32, #tpu.memory_space<vmem>>, vector<1x16xf32>,
      %get3A_421 = vector.shape_cast %get3A_420 : vector<1x16xf32> to vector<16xf32>
      %sub3A_422 = arith.subf %get3A_417, %get3A_421 : vector<16xf32>
      %mul3A_423 = arith.mulf %sub3A_422, %sub3A_422 : vector<16xf32>
      %add3A_424 = arith.addf %add3A_336, %mul3A_423 : vector<16xf32>
      %get3A_425 = arith.index_cast %scan3A_77 : i32 to index
      %get3A_426 = arith.constant 496 : index
      %get3A_427 = tpu.vector_load %arg9[%get3A_425, %get3A_426] {strides = array<i32>} : memref<32x512xf32, #tpu.memory_space<vmem>>, vector<1x16xf32>,
      %get3A_428 = vector.shape_cast %get3A_427 : vector<1x16xf32> to vector<16xf32>
      %get3A_429 = arith.index_cast %scan3A_77 : i32 to index
      %get3A_430 = arith.constant 496 : index
      %get3A_431 = tpu.vector_load %arg10[%get3A_429, %get3A_430] {strides = array<i32>} : memref<32x512xf32, #tpu.memory_space<vmem>>, vector<1x16xf32>,
      %get3A_432 = vector.shape_cast %get3A_431 : vector<1x16xf32> to vector<16xf32>
      %sub3A_433 = arith.subf %get3A_428, %get3A_432 : vector<16xf32>
      %mul3A_434 = arith.mulf %sub3A_433, %sub3A_433 : vector<16xf32>
      %add3A_435 = arith.addf %add3A_347, %mul3A_434 : vector<16xf32>
      scf.yield %add3A_358, %add3A_369, %add3A_380, %add3A_391, %add3A_402, %add3A_413, %add3A_424, %add3A_435 : vector<16xf32>, vector<16xf32>, vector<16xf32>, vector<16xf32>, vector<16xf32>, vector<16xf32>, vector<16xf32>, vector<16xf32>
    }
    %scan3A_66 = arith.constant 32 : i32
    %add3A_67 = arith.addf %scan3A_65#0, %scan3A_65#1 : vector<16xf32>
    %add3A_68 = arith.addf %add3A_67, %scan3A_65#2 : vector<16xf32>
    %add3A_69 = arith.addf %add3A_68, %scan3A_65#3 : vector<16xf32>
    %add3A_70 = arith.addf %add3A_69, %scan3A_65#4 : vector<16xf32>
    %add3A_71 = arith.addf %add3A_70, %scan3A_65#5 : vector<16xf32>
    %add3A_72 = arith.addf %add3A_71, %scan3A_65#6 : vector<16xf32>
    %add3A_73 = arith.addf %add3A_72, %scan3A_65#7 : vector<16xf32>
    %swap3A = arith.constant 0 : index
    %swap3A_74 = tpu.vector_load %arg11[%swap3A] {strides = array<i32>} : memref<16xf32, #tpu.memory_space<vmem>>, vector<16xf32>,
    %swap3A_75 = vector.shape_cast %swap3A_74 : vector<16xf32> to vector<16xf32>
    %swap3A_76 = vector.shape_cast %add3A_73 : vector<16xf32> to vector<16xf32>
    tpu.vector_store %arg11[%swap3A], %swap3A_76 {strides = array<i32>} : memref<16xf32, #tpu.memory_space<vmem>>, vector<16xf32>,
    "tpu.region"() ({
      %run_scoped3A = tpu.sem_alloc : memref<!tpu.dma_semaphore, #tpu.memory_space<semaphore_mem>>
      %dma_start3A_77 = arith.constant 0 : i32
      %dma_start3A_78 = tpu.memref_slice %arg5[%add3A, %dma_start3A_77] : memref<32x16xf32, #tpu.memory_space<hbm>> -> memref<1x16xf32, #tpu.memory_space<hbm>>
      %dma_start3A_79 = tpu.memref_squeeze %dma_start3A_78 : memref<1x16xf32, #tpu.memory_space<hbm>> -> memref<16xf32, #tpu.memory_space<hbm>>
      %dma_start3A_80 = arith.constant 0 : i32
      %dma_start3A_81 = tpu.memref_slice %arg5[%add3A, %dma_start3A_80] : memref<32x16xf32, #tpu.memory_space<hbm>> -> memref<1x16xf32, #tpu.memory_space<hbm>>
      %dma_start3A_82 = tpu.memref_squeeze %dma_start3A_81 : memref<1x16xf32, #tpu.memory_space<hbm>> -> memref<16xf32, #tpu.memory_space<hbm>>
      tpu.enqueue_dma source(%arg11 : memref<16xf32, #tpu.memory_space<vmem>>) target(%dma_start3A_82 : memref<16xf32, #tpu.memory_space<hbm>>) target_semaphore(%run_scoped3A : memref<!tpu.dma_semaphore, #tpu.memory_space<semaphore_mem>>)
      %dma_wait3A_83 = arith.constant 0 : i32
      %dma_wait3A_84 = tpu.memref_slice %arg5[%add3A, %dma_wait3A_83] : memref<32x16xf32, #tpu.memory_space<hbm>> -> memref<1x16xf32, #tpu.memory_space<hbm>>
      %dma_wait3A_85 = tpu.memref_squeeze %dma_wait3A_84 : memref<1x16xf32, #tpu.memory_space<hbm>> -> memref<16xf32, #tpu.memory_space<hbm>>
      %dma_wait3A_86 = arith.constant 0 : i32
      %dma_wait3A_87 = tpu.memref_slice %arg5[%add3A, %dma_wait3A_86] : memref<32x16xf32, #tpu.memory_space<hbm>> -> memref<1x16xf32, #tpu.memory_space<hbm>>
      %dma_wait3A_88 = tpu.memref_squeeze %dma_wait3A_87 : memref<1x16xf32, #tpu.memory_space<hbm>> -> memref<16xf32, #tpu.memory_space<hbm>>
      tpu.wait_dma2 semaphore(%run_scoped3A : memref<!tpu.dma_semaphore, #tpu.memory_space<semaphore_mem>>) src(%arg11 : memref<16xf32, #tpu.memory_space<vmem>>) dst(%dma_wait3A_88 : memref<16xf32, #tpu.memory_space<hbm>>)
      tpu.yield
    }) : () -> ()
    return
  }
}

module attributes {stable_mosaic.version = 14 : i64} {
  func.func @_tc_body(%arg0: i32, %arg1: memref<1x1x1024xi32, #tpu.memory_space<vmem>>, %arg2: memref<1024x512xf32, #tpu.memory_space<vmem>>, %arg3: memref<1000x512xf32, #tpu.memory_space<vmem>>, %arg4: memref<8x128xf32, #tpu.memory_space<vmem>>, %arg5: memref<1000x512xf32, #tpu.memory_space<vmem>>, %arg6: memref<1000x128xf32, #tpu.memory_space<vmem>>) attributes {dimension_semantics = [#tpu.dimension_semantics<arbitrary>], iteration_bounds = array<i64: 2>, scalar_prefetch = 0 : i64, scratch_operands = 2 : i64, tpu.core_type = #tpu.core_type<tc>, window_params = [{transform_indices = @transform_0, window_bounds = array<i64: 1, 1, 1024>}, {transform_indices = @transform_1, window_bounds = array<i64: 1024, 512>}, {pipeline_mode = #tpu.pipeline_mode<synchronous>, transform_indices = @transform_2, window_bounds = array<i64: 1000, 512>}, {pipeline_mode = #tpu.pipeline_mode<synchronous>, transform_indices = @transform_3, window_bounds = array<i64: 8, 128>}]} {
    %eq3A = arith.constant 0 : i32
    %eq3A_0 = arith.cmpi eq, %arg0, %eq3A : i32
    %convert_element_type3A = arith.extui %eq3A_0 : i1 to i32
    %cond3A = arith.constant 0 : i32
    %cond3A_1 = arith.cmpi ne, %convert_element_type3A, %cond3A : i32
    scf.if %cond3A_1 {
      %broadcast_in_dim3A_45 = arith.constant 0.000000e+00 : f32
      %broadcast_in_dim3A_46 = vector.broadcast %broadcast_in_dim3A_45 : f32 to vector<8x128xf32>
      %swap3A_47 = arith.constant 0 : index
      %swap3A_48 = arith.constant 0 : index
      %swap3A_49 = vector.load %arg4[%swap3A_47, %swap3A_48] : memref<8x128xf32, #tpu.memory_space<vmem>>, vector<8x128xf32>
      tpu.vector_store %arg4[%swap3A_47, %swap3A_48], %broadcast_in_dim3A_46 {strides = array<i32>} : memref<8x128xf32, #tpu.memory_space<vmem>>, vector<8x128xf32>,
      %broadcast_in_dim3A_50 = arith.constant 0.000000e+00 : f32
      %broadcast_in_dim3A_51 = vector.broadcast %broadcast_in_dim3A_50 : f32 to vector<1000x512xf32>
      %swap3A_52 = arith.constant 0 : index
      %swap3A_53 = arith.constant 0 : index
      %swap3A_54 = vector.load %arg5[%swap3A_52, %swap3A_53] : memref<1000x512xf32, #tpu.memory_space<vmem>>, vector<1000x512xf32>
      tpu.vector_store %arg5[%swap3A_52, %swap3A_53], %broadcast_in_dim3A_51 {strides = array<i32>} : memref<1000x512xf32, #tpu.memory_space<vmem>>, vector<1000x512xf32>,
      %broadcast_in_dim3A_55 = arith.constant 0.000000e+00 : f32
      %broadcast_in_dim3A_56 = vector.broadcast %broadcast_in_dim3A_55 : f32 to vector<1000x128xf32>
      %swap3A_57 = arith.constant 0 : index
      %swap3A_58 = arith.constant 0 : index
      %swap3A_59 = vector.load %arg6[%swap3A_57, %swap3A_58] : memref<1000x128xf32, #tpu.memory_space<vmem>>, vector<1000x128xf32>
      tpu.vector_store %arg6[%swap3A_57, %swap3A_58], %broadcast_in_dim3A_56 {strides = array<i32>} : memref<1000x128xf32, #tpu.memory_space<vmem>>, vector<1000x128xf32>,
    } else {
    }
    %get3A = arith.constant 0 : index
    %get3A_2 = arith.constant 0 : index
    %get3A_3 = arith.constant 0 : index
    %get3A_4 = vector.load %arg1[%get3A, %get3A_2, %get3A_3] : memref<1x1x1024xi32, #tpu.memory_space<vmem>>, vector<1x1x1024xi32>
    %reshape3A = vector.shape_cast %get3A_4 : vector<1x1x1024xi32> to vector<1x1024xi32>
    %iota3A = tpu.iota {dimensions = array<i32: 0>} : vector<1000x1024xi32>
    %eq3A_5 = vector.broadcast %reshape3A : vector<1x1024xi32> to vector<1000x1024xi32>
    %eq3A_6 = arith.cmpi eq, %iota3A, %eq3A_5 : vector<1000x1024xi32>
    %jit3A = arith.constant 1.000000e+00 : f32
    %jit3A_7 = arith.constant 0.000000e+00 : f32
    %broadcast_in_dim3A = vector.broadcast %jit3A : f32 to vector<1000x1024xf32>
    %broadcast_in_dim3A_8 = vector.broadcast %jit3A_7 : f32 to vector<1000x1024xf32>
    %select_n3A = arith.select %eq3A_6, %broadcast_in_dim3A, %broadcast_in_dim3A_8 : vector<1000x1024xi1>, vector<1000x1024xf32>
    %convert_element_type3A_9 = arith.truncf %select_n3A : vector<1000x1024xf32> to vector<1000x1024xbf16>
    %get3A_10 = arith.constant 0 : index
    %get3A_11 = arith.constant 0 : index
    %get3A_12 = vector.load %arg2[%get3A_10, %get3A_11] : memref<1024x512xf32, #tpu.memory_space<vmem>>, vector<1024x512xf32>
    %get3A_13 = arith.constant 0 : index
    %get3A_14 = arith.constant 0 : index
    %get3A_15 = vector.load %arg5[%get3A_13, %get3A_14] : memref<1000x512xf32, #tpu.memory_space<vmem>>, vector<1000x512xf32>
    %convert_element_type3A_16 = arith.truncf %get3A_12 : vector<1024x512xf32> to vector<1024x512xbf16>
    %dot_general3A = arith.constant dense<0.000000e+00> : vector<1000x512xf32>
    %dot_general3A_17 = tpu.matmul %convert_element_type3A_9, %convert_element_type3A_16, %dot_general3A {dimension_numbers = #tpu.dot_dimension_numbers<[1], [0], [0], [1], [0, 0, 1, 1], [], []>, transpose_lhs_hint = false} : vector<1000x1024xbf16>, vector<1024x512xbf16>, vector<1000x512xf32> -> vector<1000x512xf32>
    %add3A = arith.addf %get3A_15, %dot_general3A_17 : vector<1000x512xf32>
    %swap3A = arith.constant 0 : index
    %swap3A_18 = arith.constant 0 : index
    %swap3A_19 = vector.load %arg5[%swap3A, %swap3A_18] : memref<1000x512xf32, #tpu.memory_space<vmem>>, vector<1000x512xf32>
    tpu.vector_store %arg5[%swap3A, %swap3A_18], %add3A {strides = array<i32>} : memref<1000x512xf32, #tpu.memory_space<vmem>>, vector<1000x512xf32>,
    %get3A_20 = arith.constant 0 : index
    %get3A_21 = arith.constant 0 : index
    %get3A_22 = vector.load %arg6[%get3A_20, %get3A_21] : memref<1000x128xf32, #tpu.memory_space<vmem>>, vector<1000x128xf32>
    %broadcast_in_dim3A_23 = arith.constant 1.000000e+00 : bf16
    %broadcast_in_dim3A_24 = vector.broadcast %broadcast_in_dim3A_23 : bf16 to vector<1024x128xbf16>
    %dot_general3A_25 = arith.constant dense<0.000000e+00> : vector<1000x128xf32>
    %dot_general3A_26 = tpu.matmul %convert_element_type3A_9, %broadcast_in_dim3A_24, %dot_general3A_25 {dimension_numbers = #tpu.dot_dimension_numbers<[1], [0], [0], [1], [0, 0, 1, 1], [], []>, transpose_lhs_hint = false} : vector<1000x1024xbf16>, vector<1024x128xbf16>, vector<1000x128xf32> -> vector<1000x128xf32>
    %add3A_27 = arith.addf %get3A_22, %dot_general3A_26 : vector<1000x128xf32>
    %swap3A_28 = arith.constant 0 : index
    %swap3A_29 = arith.constant 0 : index
    %swap3A_30 = vector.load %arg6[%swap3A_28, %swap3A_29] : memref<1000x128xf32, #tpu.memory_space<vmem>>, vector<1000x128xf32>
    tpu.vector_store %arg6[%swap3A_28, %swap3A_29], %add3A_27 {strides = array<i32>} : memref<1000x128xf32, #tpu.memory_space<vmem>>, vector<1000x128xf32>,
    %get3A_31 = arith.constant 0 : index
    %get3A_32 = arith.constant 0 : index
    %get3A_33 = vector.load %arg4[%get3A_31, %get3A_32] : memref<8x128xf32, #tpu.memory_space<vmem>>, vector<8x128xf32>
    %mul3A = arith.mulf %get3A_12, %get3A_12 : vector<1024x512xf32>
    %reshape3A_34 = vector.shape_cast %mul3A : vector<1024x512xf32> to vector<128x8x4x128xf32>
    %reduce_sum3A = arith.constant dense<0.000000e+00> : vector<8x128xf32>
    %reduce_sum3A_35 = vector.multi_reduction <add>, %reshape3A_34, %reduce_sum3A [0, 2] : vector<128x8x4x128xf32> to vector<8x128xf32>
    %add3A_36 = arith.addf %get3A_33, %reduce_sum3A_35 : vector<8x128xf32>
    %swap3A_37 = arith.constant 0 : index
    %swap3A_38 = arith.constant 0 : index
    %swap3A_39 = vector.load %arg4[%swap3A_37, %swap3A_38] : memref<8x128xf32, #tpu.memory_space<vmem>>, vector<8x128xf32>
    tpu.vector_store %arg4[%swap3A_37, %swap3A_38], %add3A_36 {strides = array<i32>} : memref<8x128xf32, #tpu.memory_space<vmem>>, vector<8x128xf32>,
    %eq3A_40 = arith.constant 1 : i32
    %eq3A_41 = arith.cmpi eq, %arg0, %eq3A_40 : i32
    %convert_element_type3A_42 = arith.extui %eq3A_41 : i1 to i32
    %cond3A_43 = arith.constant 0 : i32
    %cond3A_44 = arith.cmpi ne, %convert_element_type3A_42, %cond3A_43 : i32
    scf.if %cond3A_44 {
      %get3A_45 = arith.constant 0 : index
      %get3A_46 = arith.constant 0 : index
      %get3A_47 = vector.load %arg3[%get3A_45, %get3A_46] : memref<1000x512xf32, #tpu.memory_space<vmem>>, vector<1000x512xf32>
      %get3A_48 = arith.constant 0 : index
      %get3A_49 = arith.constant 0 : index
      %get3A_50 = vector.load %arg5[%get3A_48, %get3A_49] : memref<1000x512xf32, #tpu.memory_space<vmem>>, vector<1000x512xf32>
      %mul3A_51 = arith.mulf %get3A_50, %get3A_47 : vector<1000x512xf32>
      %get3A_52 = arith.constant 0 : index
      %get3A_53 = arith.constant 0 : index
      %get3A_54 = vector.load %arg4[%get3A_52, %get3A_53] : memref<8x128xf32, #tpu.memory_space<vmem>>, vector<8x128xf32>
      %reshape3A_55 = vector.shape_cast %mul3A_51 : vector<1000x512xf32> to vector<125x8x4x128xf32>
      %reduce_sum3A_56 = arith.constant dense<0.000000e+00> : vector<8x128xf32>
      %reduce_sum3A_57 = vector.multi_reduction <add>, %reshape3A_55, %reduce_sum3A_56 [0, 2] : vector<125x8x4x128xf32> to vector<8x128xf32>
      %mul3A_58 = arith.constant -2.000000e+00 : f32
      %mul3A_59 = vector.broadcast %mul3A_58 : f32 to vector<8x128xf32>
      %mul3A_60 = arith.mulf %mul3A_59, %reduce_sum3A_57 : vector<8x128xf32>
      %add3A_61 = arith.addf %get3A_54, %mul3A_60 : vector<8x128xf32>
      %swap3A_62 = arith.constant 0 : index
      %swap3A_63 = arith.constant 0 : index
      %swap3A_64 = vector.load %arg4[%swap3A_62, %swap3A_63] : memref<8x128xf32, #tpu.memory_space<vmem>>, vector<8x128xf32>
      tpu.vector_store %arg4[%swap3A_62, %swap3A_63], %add3A_61 {strides = array<i32>} : memref<8x128xf32, #tpu.memory_space<vmem>>, vector<8x128xf32>,
      %mul3A_65 = arith.mulf %get3A_47, %get3A_47 : vector<1000x512xf32>
      %reduce_sum3A_66 = arith.constant dense<0.000000e+00> : vector<1000xf32>
      %reduce_sum3A_67 = vector.multi_reduction <add>, %mul3A_65, %reduce_sum3A_66 [1] : vector<1000x512xf32> to vector<1000xf32>
      %broadcast_in_dim3A_68 = vector.shape_cast %reduce_sum3A_67 : vector<1000xf32> to vector<1000x1xf32>
      %get3A_69 = arith.constant 0 : index
      %get3A_70 = arith.constant 0 : index
      %get3A_71 = vector.load %arg6[%get3A_69, %get3A_70] : memref<1000x128xf32, #tpu.memory_space<vmem>>, vector<1000x1xf32>
      %mul3A_72 = arith.mulf %get3A_71, %broadcast_in_dim3A_68 : vector<1000x1xf32>
      %get3A_73 = arith.constant 0 : index
      %get3A_74 = arith.constant 0 : index
      %get3A_75 = vector.load %arg4[%get3A_73, %get3A_74] : memref<8x128xf32, #tpu.memory_space<vmem>>, vector<8x1xf32>
      %reshape3A_76 = vector.shape_cast %mul3A_72 : vector<1000x1xf32> to vector<125x8x1x1xf32>
      %reduce_sum3A_77 = arith.constant dense<0.000000e+00> : vector<8x1xf32>
      %reduce_sum3A_78 = vector.multi_reduction <add>, %reshape3A_76, %reduce_sum3A_77 [0, 2] : vector<125x8x1x1xf32> to vector<8x1xf32>
      %add3A_79 = arith.addf %get3A_75, %reduce_sum3A_78 : vector<8x1xf32>
      %swap3A_80 = arith.constant 0 : index
      %swap3A_81 = arith.constant 0 : index
      %swap3A_82 = vector.load %arg4[%swap3A_80, %swap3A_81] : memref<8x128xf32, #tpu.memory_space<vmem>>, vector<8x1xf32>
      tpu.vector_store %arg4[%swap3A_80, %swap3A_81], %add3A_79 {strides = array<i32>} : memref<8x128xf32, #tpu.memory_space<vmem>>, vector<8x1xf32>,
    } else {
    }
    return
  }
  func.func @transform_0(%arg0: i32) -> (i32, i32, i32) {
    %add3A = arith.constant 2 : i32
    %add3A_0 = arith.addi %add3A, %arg0 : i32
    %c0_i32 = arith.constant 0 : i32
    %c0_i32_1 = arith.constant 0 : i32
    %c0_i32_2 = arith.constant 0 : i32
    return %add3A_0, %c0_i32, %c0_i32_1 : i32, i32, i32
  }
  func.func @transform_1(%arg0: i32) -> (i32, i32) {
    %add3A = arith.constant 2 : i32
    %add3A_0 = arith.addi %add3A, %arg0 : i32
    %c0_i32 = arith.constant 0 : i32
    %c0_i32_1 = arith.constant 0 : i32
    return %add3A_0, %c0_i32 : i32, i32
  }
  func.func @transform_2(%arg0: i32) -> (i32, i32) {
    %c0_i32 = arith.constant 0 : i32
    %c0_i32_0 = arith.constant 0 : i32
    %c0_i32_1 = arith.constant 0 : i32
    return %c0_i32, %c0_i32_0 : i32, i32
  }
  func.func @transform_3(%arg0: i32) -> (i32, i32) {
    %c0_i32 = arith.constant 0 : i32
    %c0_i32_0 = arith.constant 0 : i32
    %c0_i32_1 = arith.constant 0 : i32
    return %c0_i32, %c0_i32_0 : i32, i32
  }
}

</mosaic_0001>

<sc_bundles>
// kernel: kernel.4.cloned.1.call-start
scs
__scs_entry_jumppad:
0x0: {  	(pc) =	sbr.rel $0x88, $3  }
0x1: {  	(tag) =	ssettag $0x0;
	lr =	simm.s32 $0x1  }
0x2: {  	[smem:$0x3F9E] =	sst lr;
	_ =	strace $0xD0000000  }
0x3: {  	_ = 	snop  }
0x4: {  	_ = 	snop  }
0x5: {  	_ = 	snop  }
0x6: {  	_ = 	snop  }
0x7: {  	_ = 	snop  }
__scs_overlays_trampoline_lowered:
0x8: {  	[smem:$0x3FAD] =	sst s0  }
0x9: {  	[smem:$0x3FAE] =	sst s1  }
0xa: {  	[smem:$0x3FAF] =	sst s2  }
0xb: {  	[smem:$0x3FB0] =	sst s3  }
0xc: {  	[smem:$0x3FB1] =	sst s4  }
0xd: {  	[smem:$0x3FB2] =	sst s5  }
0xe: {  	[smem:$0x3FB3] =	sst s6  }
0xf: {  	[smem:$0x3FB4] =	sst s7  }
0x10: {  	[smem:$0x3FB5] =	sst s8  }
0x11: {  	[smem:$0x3FB6] =	sst s9;
	s0 =	simm.s32 @!p0 $0x0  }
0x12: {  	s1 =	sld [smem:$0x3F9C];
	s0 =	simm.s32 @p0 $0x1  }
0x13: {  	[smem:$0x3FB7] =	sst s0;
	s0 =	simm.s32 @!p1 $0x0  }
0x14: {  	s2 =	sld [smem:$0x3F9B];
	s0 =	simm.s32 @p1 $0x1  }
0x15: {  	[smem:$0x3FB8] =	sst s0;
	s0 =	simm.s32 @!p2 $0x0  }
0x16: {  	s3 =	sld [smem:$0x3FDB];
	s0 =	simm.s32 @p2 $0x1  }
0x17: {  	s4 =	simm.s32 $0x1BF5;
	[smem:$0x3FBA] =	sst s0  }
0x18: {  	s0 =	sld [smem:$0x3F9D];
	_ =	swait.ge [sflag:s4], $0x0  }
0x19: {  	s7 =	sld [smem:$0x3F9E]  }
0x1a: {  	s8 =	sadd.s32 $0xFFFFE003, lr  }
0x1b: {  	s9 =	sadd.s32 $0xFFFFFEF7, lr;
	s5 =	simm.s32 $0xFFFFFFFF;
	p2 =	slt.u32 s8, $0xFFFFF086  }
0x1c: {  	p1 =	slt.u32 s9, $0xF7A;
	s5 =	simm.s32 @!p2 $0x0  }
0x1d: {  	s5 =	simm.s32 @p1 $0x1;
	p0 =	seq.s32 s7, s2  }
0x1e: {  	s7 =	smul.u32 @!p0 $0xF7A, s2;
	p2 =	seq.s32 @!p0 s5, $0x0  }
0x1f: {  	s9 =	smul.u32 $0xF7A, s1;
	s8 =	simm.s32 @!p0 $0x1BF5;
	p2 =	por !p2, p0  }
0x20: {  	[sflag:s8] =	ssyncset.s32 @!p0 $0xFFFFF086;
	s6 =	sadd.s32 @!p0 s3, s7;
	s7 =	simm.s32 @!p0 $0x108  }
0x21: {  	s3 =	sadd.s32 s3, s9;
	s6 =	sadd.s32 @!p0 $0x88, s6;
	s7 =	simm.s32 @p2 $0x1082  }
0x22: {  	[simem:s7], [sflag:s8] =	dma.local @!p0 [hbm:s6], $0xF7A  }
0x23: {  	s9 =	sor.u32 $0xD0000000, s2;
	s6 =	simm.s32 $0x108;
	_ =	swait.ge @!p0 [sflag:s8], $0x0  }
0x24: {  	s3 =	sadd.s32 $0x88, s3;
	s6 =	simm.s32 @!p1 $0x1082;
	[sflag:s4] =	ssyncset.s32 $0xFFFFF086  }
0x25: {  	[simem:s6], [sflag:s4] =	dma.local [hbm:s3], $0xF7A  }
0x26: {  	[smem:$0x3F9E] =	sst s1;
	(tag) =	ssettag s2;
	_ =	strace s9  }
0x27: {  	s1 =	sld [smem:$0x3FAE]  }
0x28: {  	s2 =	sld [smem:$0x3FAF]  }
0x29: {  	s4 =	sld [smem:$0x3FB1]  }
0x2a: {  	p0 =	seq.s32 s5, $0x0;
	s5 =	sld [smem:$0x3FB2]  }
0x2b: {  	s6 =	sld [smem:$0x3FB3]  }
0x2c: {  	s7 =	sld [smem:$0x3FB4]  }
0x2d: {  	s3 =	simm.s32 $0x108;
	s8 =	sld [smem:$0x3FB5]  }
0x2e: {  	s3 =	simm.s32 @!p0 $0x1082;
	s9 =	sld [smem:$0x3FB6]  }
0x2f: {  	lr =	sadd.s32 s0, s3;
	s0 =	sld [smem:$0x3FAD]  }
0x30: {  	s3 =	sld [smem:$0x3FB0]  }
0x31: {  	[smem:$0x3FB9] =	sst s10  }
0x32: {  	s10 =	sld [smem:$0x3FB7];
	_ =	sdelay $0x3  }
0x33: {  	p0 =	seq.s32 s10, $0x1;
	s10 =	sld [smem:$0x3FB9];
	_ =	sdelay $0x3  }
0x34: {  	[smem:$0x3FB9] =	sst s10  }
0x35: {  	s10 =	sld [smem:$0x3FB8];
	_ =	sdelay $0x3  }
0x36: {  	p1 =	seq.s32 s10, $0x1;
	s10 =	sld [smem:$0x3FB9];
	_ =	sdelay $0x3  }
0x37: {  	[smem:$0x3FB9] =	sst s10  }
0x38: {  	s10 =	sld [smem:$0x3FBA]  }
0x39: {  	_ = 	snop;
	(pc) =	sbr.ind lr, $3  }
0x3a: {  	_ = 	snop  }
0x3b: {  	_ = 	snop  }
0x3c: {  	p2 =	seq.s32 s10, $0x1;
	s10 =	sld [smem:$0x3FB9]  }
0x3d: {  	_ =	shalt  }
0x3e: {  	_ =	shalt  }
0x3f: {  	_ =	shalt  }
0x40: {  	_ =	shalt  }
0x41: {  	_ =	shalt  }
0x42: {  	_ =	shalt  }
0x43: {  	_ =	shalt  }
0x44: {  	_ =	shalt  }
0x45: {  	_ =	shalt  }
0x46: {  	_ =	shalt  }
0x47: {  	_ =	shalt  }
0x48: {  	_ =	shalt  }
0x49: {  	_ =	shalt  }
0x4a: {  	_ =	shalt  }
0x4b: {  	_ =	shalt  }
0x4c: {  	_ =	shalt  }
0x4d: {  	_ =	shalt  }
0x4e: {  	_ =	shalt  }
0x4f: {  	_ =	shalt  }
0x50: {  	_ =	shalt  }
0x51: {  	_ =	shalt  }
0x52: {  	_ =	shalt  }
0x53: {  	_ =	shalt  }
0x54: {  	_ =	shalt  }
0x55: {  	_ =	shalt  }
0x56: {  	_ =	shalt  }
0x57: {  	_ =	shalt  }
0x58: {  	_ =	shalt  }
0x59: {  	_ =	shalt  }
0x5a: {  	_ =	shalt  }
0x5b: {  	_ =	shalt  }
0x5c: {  	_ =	shalt  }
0x5d: {  	_ =	shalt  }
0x5e: {  	_ =	shalt  }
0x5f: {  	_ =	shalt  }
0x60: {  	_ =	shalt  }
0x61: {  	_ =	shalt  }
0x62: {  	_ =	shalt  }
0x63: {  	_ =	shalt  }
0x64: {  	_ =	shalt  }
0x65: {  	_ =	shalt  }
0x66: {  	_ =	shalt  }
0x67: {  	_ =	shalt  }
0x68: {  	_ =	shalt  }
0x69: {  	_ =	shalt  }
0x6a: {  	_ =	shalt  }
0x6b: {  	_ =	shalt  }
0x6c: {  	_ =	shalt  }
0x6d: {  	_ =	shalt  }
0x6e: {  	_ =	shalt  }
0x6f: {  	_ =	shalt  }
0x70: {  	_ =	shalt  }
0x71: {  	_ =	shalt  }
0x72: {  	_ =	shalt  }
0x73: {  	_ =	shalt  }
0x74: {  	_ =	shalt  }
0x75: {  	_ =	shalt  }
0x76: {  	_ =	shalt  }
0x77: {  	_ =	shalt  }
0x78: {  	_ =	shalt  }
0x79: {  	_ =	shalt  }
0x7a: {  	_ =	shalt  }
0x7b: {  	_ =	shalt  }
0x7c: {  	_ =	shalt  }
0x7d: {  	_ =	shalt  }
0x7e: {  	_ =	shalt  }
0x7f: {  	_ =	shalt  }
0x80: {  	_ =	shalt  }
0x81: {  	_ =	shalt  }
0x82: {  	_ =	shalt  }
0x83: {  	_ =	shalt  }
0x84: {  	_ =	shalt  }
0x85: {  	_ =	shalt  }
0x86: {  	_ =	shalt  }
0x87: {  	_ =	shalt  }
.Lfunc_end0:
.L_simem_size_0:
called_computation_lowered:
.L_overlay_start_0:
0x88: {  	s2 =	sld [smem:$0x3FD9]  }
0x89: {  	s3 =	sld [smem:$0x3FFE];
	_ =	sdelay $0x1  }
0x8a: {  	s1 =	srdreg.scid  }
0x8b: {  	s0 =	sand.u32 $0x1, s1  }
0x8c: {  	s17 =	sshll.u32 s0, $0xA;
	s2 =	sadd.s32 s3, s2  }
0x8d: {  	s2 =	sadd.s32 s2, s17  }
0x8e: {  	[smem:$0x3FC5] =	sst s2  }
0x8f: {  	_ = 	snop  }
0x90: {  	s2 =	sld [smem:$0x3FC9]  }
0x91: {  	s18 =	sld [smem:$0x3FC8]  }
0x92: {  	s4 =	sld [smem:$0x3FC7];
	(tm) =	ssettm $0x1  }
0x93: {  	s5 =	sld [smem:$0x3FFB];
	_ =	sdelay $0x3  }
0x94: {  	_ =	strace s5  }
0x95: {  	s5 =	sld [smem:$0x3FFC];
	_ =	sdelay $0x3  }
0x96: {  	_ =	strace s5  }
0x97: {  	s5 =	sld [smem:$0x3FFD];
	_ =	sdelay $0x3  }
0x98: {  	_ =	strace s5  }
0x99: {  	_ =	strace $0x8FFFFFFF  }
0x9a: {  	s19 =	sld [smem:$0x3FDB];
	_ =	sdelay $0x1  }
0x9b: {  	s6 =	simm.s32 $_scs_section_size  }
0x9c: {  	s7 =	simm.s32 $_size__tile_overlayer_lowered;
	s8 =	simm.s32 $_tile_overlayer_lowered  }
0x9d: {  	s22 =	simm.s32 $0x1BFF;
	s21 =	sshll.u32 s8, $0x1;
	s5 =	sadd.s32 s6, s19  }
0x9e: {  	s9 =	simm.s32 $0x0;
	s20 =	sshll.u32 s7, $0x1;
	s7 =	sadd.s32 s21, s5  }
0x9f: {  	[timem:s9], [sflag:s22] =	dma.local [hbm:s7], s20  }
0xa0: {  	_ =	swait.ge [sflag:s22], s20  }
0xa1: {  	s6 =	ssub.s32 $0x0, s20;
	[sflag:s22] =	ssyncset.done $0x0  }
0xa2: {  	[sflag:s22] =	ssyncadd.s32 s6;
	_ =	sdelay $0x1  }
0xa3: {  	s23 =	simm.s32 $0x1B8B  }
0xa4: {  	_ =	swait.ge [sflag:s23], $0x1  }
0xa5: {  	[sflag:s23] =	ssyncset.done $0x0  }
0xa6: {  	s25 =	simm.s32 $0x1B8E;
	s24 =	sld [smem:$0x3FFE];
	[sflag:s23] =	ssyncadd.s32 $0xFFFFFFFF  }
0xa7: {  	s26 =	simm.s32 $execute0_lowered;
	[smem:$0x3FD2] =	sst s25  }
0xa8: {  	s7 =	sshll.u32 s26, $0x1;
	_ =	strace $0x80000046;
	[dreg:$0x1] =	wrdreg $0xFFFFFFFF  }
0xa9: {  	s28 =	simm.s32 $_size_execute0_lowered;
	s5 =	sadd.s32 s5, s7;
	[dreg:$0x0] =	wrdreg $0x0  }
0xaa: {  	s7 =	sshll.u32 s28, $0x1;
	[dreg:$0x2] =	wrdreg s5  }
0xab: {  	[dreg:$0x3] =	wrdreg s7  }
0xac: {  	[dreg:$0x4] =	wrdreg $0xC0  }
0xad: {  	_ =	task [dreg:s9], $0x5FFFF  }
0xae: {  	[dreg:$0x1] =	wrdreg $0xFFFFFFFF  }
0xaf: {  	[dreg:$0x0] =	wrdreg $0x60  }
0xb0: {  	[dreg:$0x2] =	wrdreg s2  }
0xb1: {  	[dreg:$0x3] =	wrdreg s18  }
0xb2: {  	[dreg:$0x4] =	wrdreg s4  }
0xb3: {  	[dreg:$0x5] =	wrdreg s24  }
0xb4: {  	[dreg:$0x6] =	wrdreg $0x9  }
0xb5: {  	_ =	task.clear_ibuf [dreg:s9], $0x7FFFF;
	_ =	strace $0x90000046  }
0xb6: {  	s29 =	simm.s32 $0x9;
	_ =	strace $0x80000048  }
0xb7: {  	_ =	swait.ge [sflag:s29], $0x1  }
0xb8: {  	[sflag:s29] =	ssyncadd.s32 $0xFFFFFFFF  }
0xb9: {  	_ =	strace $0x90000048  }
0xba: {  	_ =	sfence  }
0xbb: {  	s30 =	sld [smem:$0x0];
	_ =	sdelay $0x2  }
0xbc: {  	s31 =	sshll.u32 s1, $0xD;
	s1 =	sshrl.u32 s1, $0x2  }
0xbd: {  	s3 =	sand.u32 $0x4000, s31;
	s1 =	sadd.s32 s1, s30  }
0xbe: {  	s0 =	sor.u32 s3, s0;
	s1 =	sshll.u32 s1, $0x11  }
0xbf: {  	s0 =	sor.u32 s1, s0  }
0xc0: {  	s0 =	sadd.s32 $0x8F2B, s0  }
0xc1: {  	[sflag:s0] =	ssyncadd.remote.s32 $0x1  }
0xc2: {  	_ =	sfence.sel $0xFFFF  }
0xc3: {  	[dreg:$0x0] =	wrdreg $0xFFFFFFFF;
	(pc) =	sbr.abs _section_cstart, $3  }
0xc4: {  	[dreg:$0x1] =	wrdreg $0xFFFFFFFF  }
0xc5: {  	_ =	task.clear_ibuf [dreg:s9], $0x2FFFF;
	_ =	strace $0x9FFFFFFF  }
0xc6: {  	(tm) =	ssettm $0x7FFFFFFF  }
0xc7: {  	_ =	shalt  }
tec
execute0_lowered:
.L_overlay_start_1:
0x0: {  	(tag) =	ssettag $0x1  }
0x1: {  	s0 =	rddreg [dreg:$0x0]  }
0x2: {  	s2 =	rddreg [dreg:$0x1]  }
0x3: {  	s1 =	rddreg [dreg:$0x2]  }
0x4: {  	s8 =	rddreg [dreg:$0x3]  }
0x5: {  	s3 =	simm.s32 $0x0;
	s4 =	srdreg.scid;
	s5 =	stileid.u32  }
0x6: {  	s17 =	simm.s32 $0x6880;
	s18 =	simm.s32 $0x7080;
	s19 =	simm.s32 $0x7880  }
0x7: {  	s20 =	simm.s32 $0x8080;
	s21 =	simm.s32 $0xC080;
	s22 =	simm.s32 $0xC880  }
0x8: {  	s23 =	simm.s32 $0xD080;
	s24 =	simm.s32 $0xD880;
	s28 =	simm.s32 $0xF080  }
0x9: {  	s29 =	simm.s32 $0xF880;
	s30 =	simm.s32 $0x1;
	s31 =	simm.s32 $0x2  }
0xa: {  	s11 =	simm.s32 $0x10080;
	s12 =	simm.s32 $0x0;
	s4 =	sand.u32 $0x1, s4  }
0xb: {  	[smem:$0x7FF] =	sst s3;
	s5 =	sshll.u32 s5, $0x1;
	s6 =	ssub.s32 $0x2, s4  }
0xc: {  	_ =	strace $0x80000047;
	s9 =	sor.u32 s4, s5;
	s25 =	sshrl.u32 s6, $0x1  }
0xd: {  	v2 =	vlaneseq.u32;
	s5 =	sshll.u32 s9, $0x3;
	s7 =	sshll.u32 s9, $0xC;
	s26 =	sshll.u32 s9, $0x4  }
0xe: {  	v0 =	vand.u32 $0x7, v2;
	v1 =	vshrl.u32 v2, $0x3;
	s10 =	ssub.s32 s6, s25;
	s4 =	sadd.s32 s2, s5;
	s5 =	sadd.s32 s0, s7  }
0xf: {  	v63 =	vor.u32 $0x8, v2;
	[tilespmem:$0x1FFD0] =	vst v0;
	v62 =	vmul.u32 $0x8, v1;
	s6 =	sadd.s32 $0x100, s1;
	s8 =	sadd.s32 s8, s26;
	s25 =	simm.s32 $0xE080  }
0x10: {  	[tilespmem:$0x1FFF0] =	vst v63;
	s26 =	simm.s32 $0xE880;
	s0 =	simm.s32 $0x3;
	s2 =	simm.s32 $0x4  }
0x11: {  	vm0 =	vmmov $0xffff;
	[tilespmem:$0x1FFE0] =	vst v62;
	s7 =	sadd.s32 $0x800, s5;
	s9 =	smax.u32 s10, $0x1;
	s10 =	simm.s32 $0x5  }
.LBB2_1:
0x12: {  	[tilespmem:s3], [sflag:$0x5] =	stream.linear.gather [hbm4b:s4+s3], $0x40, $0x38;
	[tilespmem:$0x10100] =	vst v63  }
0x13: {  	_ =	swait.ge [sflag:s10], $0x40  }
0x14: {  	[sflag:s10] =	ssyncset.done $0x0  }
0x15: {  	s13 =	simm.s32 $0x80;
	[sflag:s10] =	ssyncadd.s32 $0xFFFFFFC0  }
0x16: {  	[tilespmem:s13], [sflag:$0x1] =	stream.linear.gather [hbm4b:s5+s3], $0x4000, $0x38;
	[tilespmem:$0x10100] =	vst v63  }
0x17: {  	v3 =	vld [tilespmem:$0x0];
	_ =	sdelay $0x2  }
0x18: {  	v0 =	vld [tilespmem:$0x1FFD0];
	_ =	sdelay $0x1  }
0x19: {  	v1 =	vld [tilespmem:$0x1FFE0];
	v4 =	vshll.u32 v3, $0x2  }
0x1a: {  	v3 =	vand.u32 $0x7, v3;
	v4 =	vand.u32 $0xFFFFFFE0, v4  }
0x1b: {  	v2 =	vld [tilespmem:$0x1FFF0];
	v3 =	vor.u32 v3, v4  }
0x1c: {  	v4 =	vperm.xlane v3, v0;
	_ =	sdelay $0x1  }
0x1d: {  	v4 =	vadd.s32 v1, v4;
	_ =	sdelay $0x1  }
0x1e: {  	v3 =	vperm.xlane v3, v2;
	_ =	sdelay $0x1  }
0x1f: {  	s14 =	simm.s32 $0x4080;
	v3 =	vadd.s32 v1, v3  }
0x20: {  	[tilespmem:s14], [sflag:$0x2] =	stream.indirect_vreg.gather [hbm4b:s1+s3], $0x80, v4, vm0, $0xb8;
	[tilespmem:$0x10100] =	vst v63  }
0x21: {  	s15 =	simm.s32 $0x4880  }
0x22: {  	[tilespmem:s15], [sflag:$0x2] =	stream.indirect_vreg.gather [hbm4b:s6+s3], $0x80, v4, vm0, $0xb8;
	[tilespmem:$0x10100] =	vst v63  }
0x23: {  	s16 =	simm.s32 $0x5080  }
0x24: {  	[tilespmem:s16], [sflag:$0x2] =	stream.indirect_vreg.gather [hbm4b:s1+s3], $0x80, v3, vm0, $0xb8;
	[tilespmem:$0x10100] =	vst v63  }
0x25: {  	s14 =	simm.s32 $0x5880  }
0x26: {  	[tilespmem:s14], [sflag:$0x2] =	stream.indirect_vreg.gather [hbm4b:s6+s3], $0x80, v3, vm0, $0xb8;
	[tilespmem:$0x10100] =	vst v63  }
0x27: {  	v3 =	vld [tilespmem:$0x10];
	_ =	sdelay $0x4  }
0x28: {  	v4 =	vshll.u32 v3, $0x2  }
0x29: {  	v3 =	vand.u32 $0x7, v3;
	v4 =	vand.u32 $0xFFFFFFE0, v4  }
0x2a: {  	v3 =	vor.u32 v3, v4  }
0x2b: {  	v4 =	vperm.xlane v3, v0;
	_ =	sdelay $0x1  }
0x2c: {  	v4 =	vadd.s32 v1, v4;
	_ =	sdelay $0x1  }
0x2d: {  	v3 =	vperm.xlane v3, v2;
	_ =	sdelay $0x1  }
0x2e: {  	s15 =	simm.s32 $0x6080;
	v3 =	vadd.s32 v1, v3  }
0x2f: {  	[tilespmem:s15], [sflag:$0x2] =	stream.indirect_vreg.gather [hbm4b:s1+s3], $0x80, v4, vm0, $0xb8;
	[tilespmem:$0x10100] =	vst v63  }
0x30: {  	_ = 	snop  }
0x31: {  	[tilespmem:s17], [sflag:$0x2] =	stream.indirect_vreg.gather [hbm4b:s6+s3], $0x80, v4, vm0, $0xb8;
	[tilespmem:$0x10100] =	vst v63  }
0x32: {  	_ = 	snop  }
0x33: {  	[tilespmem:s18], [sflag:$0x2] =	stream.indirect_vreg.gather [hbm4b:s1+s3], $0x80, v3, vm0, $0xb8;
	[tilespmem:$0x10100] =	vst v63  }
0x34: {  	_ = 	snop  }
0x35: {  	[tilespmem:s19], [sflag:$0x2] =	stream.indirect_vreg.gather [hbm4b:s6+s3], $0x80, v3, vm0, $0xb8;
	[tilespmem:$0x10100] =	vst v63  }
0x36: {  	_ = 	snop  }
0x37: {  	[tilespmem:s20], [sflag:$0x3] =	stream.linear.gather [hbm4b:s7+s3], $0x4000, $0x38;
	[tilespmem:$0x10100] =	vst v63  }
0x38: {  	v3 =	vld [tilespmem:$0x20];
	_ =	sdelay $0x4  }
0x39: {  	v4 =	vshll.u32 v3, $0x2  }
0x3a: {  	v3 =	vand.u32 $0x7, v3;
	v4 =	vand.u32 $0xFFFFFFE0, v4  }
0x3b: {  	v3 =	vor.u32 v3, v4  }
0x3c: {  	v4 =	vperm.xlane v3, v0;
	_ =	sdelay $0x1  }
0x3d: {  	v4 =	vadd.s32 v1, v4;
	_ =	sdelay $0x1  }
0x3e: {  	v3 =	vperm.xlane v3, v2;
	_ =	sdelay $0x1  }
0x3f: {  	v3 =	vadd.s32 v1, v3  }
0x40: {  	[tilespmem:s21], [sflag:$0x4] =	stream.indirect_vreg.gather [hbm4b:s1+s3], $0x80, v4, vm0, $0xb8;
	[tilespmem:$0x10100] =	vst v63  }
0x41: {  	_ = 	snop  }
0x42: {  	[tilespmem:s22], [sflag:$0x4] =	stream.indirect_vreg.gather [hbm4b:s6+s3], $0x80, v4, vm0, $0xb8;
	[tilespmem:$0x10100] =	vst v63  }
0x43: {  	_ = 	snop  }
0x44: {  	[tilespmem:s23], [sflag:$0x4] =	stream.indirect_vreg.gather [hbm4b:s1+s3], $0x80, v3, vm0, $0xb8;
	[tilespmem:$0x10100] =	vst v63  }
0x45: {  	_ = 	snop  }
0x46: {  	[tilespmem:s24], [sflag:$0x4] =	stream.indirect_vreg.gather [hbm4b:s6+s3], $0x80, v3, vm0, $0xb8;
	[tilespmem:$0x10100] =	vst v63  }
0x47: {  	v3 =	vld [tilespmem:$0x30];
	_ =	sdelay $0x4  }
0x48: {  	v4 =	vshll.u32 v3, $0x2  }
0x49: {  	v3 =	vand.u32 $0x7, v3;
	v4 =	vand.u32 $0xFFFFFFE0, v4  }
0x4a: {  	v3 =	vor.u32 v3, v4  }
0x4b: {  	v4 =	vperm.xlane v3, v0;
	_ =	sdelay $0x1  }
0x4c: {  	v4 =	vadd.s32 v1, v4;
	_ =	sdelay $0x1  }
0x4d: {  	v3 =	vperm.xlane v3, v2;
	_ =	sdelay $0x1  }
0x4e: {  	v3 =	vadd.s32 v1, v3  }
0x4f: {  	[tilespmem:s25], [sflag:$0x4] =	stream.indirect_vreg.gather [hbm4b:s1+s3], $0x80, v4, vm0, $0xb8;
	[tilespmem:$0x10100] =	vst v63  }
0x50: {  	_ = 	snop  }
0x51: {  	[tilespmem:s26], [sflag:$0x4] =	stream.indirect_vreg.gather [hbm4b:s6+s3], $0x80, v4, vm0, $0xb8;
	[tilespmem:$0x10100] =	vst v63  }
0x52: {  	_ = 	snop  }
0x53: {  	[tilespmem:s28], [sflag:$0x4] =	stream.indirect_vreg.gather [hbm4b:s1+s3], $0x80, v3, vm0, $0xb8;
	[tilespmem:$0x10100] =	vst v63  }
0x54: {  	_ = 	snop  }
0x55: {  	[tilespmem:s29], [sflag:$0x4] =	stream.indirect_vreg.gather [hbm4b:s6+s3], $0x80, v3, vm0, $0xb8;
	[tilespmem:$0x10100] =	vst v63  }
0x56: {  	_ =	swait.ge [sflag:s30], $0x4000  }
0x57: {  	[sflag:s30] =	ssyncset.done $0x0  }
0x58: {  	[sflag:s30] =	ssyncadd.s32 $0xFFFFC000  }
0x59: {  	_ =	swait.ge [sflag:s31], $0x4000  }
0x5a: {  	s16 =	sand.u32 $0x3000, s3;
	s14 =	sand.u32 $0x380, s3;
	[sflag:s31] =	ssyncset.done $0x0  }
0x5b: {  	s13 =	sor.u32 s14, s16;
	[sflag:s31] =	ssyncadd.s32 $0xFFFFC000  }
0x5c: {  	v3 =	vld [tilespmem:s13+$0xC80]  }
0x5d: {  	v4 =	vld [tilespmem:s13+$0x4C80]  }
0x5e: {  	v5 =	vld [tilespmem:s13+$0xC90]  }
0x5f: {  	v6 =	vld [tilespmem:s13+$0x4C90]  }
0x60: {  	v7 =	vld [tilespmem:s13+$0xCA0]  }
0x61: {  	v8 =	vld [tilespmem:s13+$0x4CA0]  }
0x62: {  	v9 =	vld [tilespmem:s13+$0xCB0]  }
0x63: {  	v10 =	vld [tilespmem:s13+$0x4CB0]  }
0x64: {  	v11 =	vld [tilespmem:s13+$0xCC0]  }
0x65: {  	v12 =	vld [tilespmem:s13+$0x4CC0]  }
0x66: {  	v13 =	vld [tilespmem:s13+$0xCD0]  }
0x67: {  	v14 =	vld [tilespmem:s13+$0x4CD0]  }
0x68: {  	v15 =	vld [tilespmem:s13+$0xCE0]  }
0x69: {  	v16 =	vld [tilespmem:s13+$0x4CE0]  }
0x6a: {  	v17 =	vld [tilespmem:s13+$0xCF0]  }
0x6b: {  	v18 =	vld [tilespmem:s13+$0x4CF0]  }
0x6c: {  	v19 =	vld [tilespmem:s13+$0x880]  }
0x6d: {  	v20 =	vld [tilespmem:s13+$0x4880]  }
0x6e: {  	v21 =	vld [tilespmem:s13+$0x890]  }
0x6f: {  	v22 =	vld [tilespmem:s13+$0x4890]  }
0x70: {  	v23 =	vld [tilespmem:s13+$0x8A0]  }
0x71: {  	v24 =	vld [tilespmem:s13+$0x48A0]  }
0x72: {  	v25 =	vld [tilespmem:s13+$0x8B0]  }
0x73: {  	v26 =	vld [tilespmem:s13+$0x48B0]  }
0x74: {  	v27 =	vld [tilespmem:s13+$0x8C0]  }
0x75: {  	v28 =	vld [tilespmem:s13+$0x48C0]  }
0x76: {  	v29 =	vld [tilespmem:s13+$0x8D0]  }
0x77: {  	v30 =	vld [tilespmem:s13+$0x48D0]  }
0x78: {  	v31 =	vld [tilespmem:s13+$0x8E0]  }
0x79: {  	v32 =	vld [tilespmem:s13+$0x48E0]  }
0x7a: {  	v33 =	vld [tilespmem:s13+$0x8F0]  }
0x7b: {  	v34 =	vld [tilespmem:s13+$0x48F0]  }
0x7c: {  	v35 =	vld [tilespmem:s13+$0x480]  }
0x7d: {  	v36 =	vld [tilespmem:s13+$0x4480]  }
0x7e: {  	v37 =	vld [tilespmem:s13+$0x490]  }
0x7f: {  	v38 =	vld [tilespmem:s13+$0x4490]  }
0x80: {  	v39 =	vld [tilespmem:s13+$0x4A0]  }
0x81: {  	v40 =	vld [tilespmem:s13+$0x44A0]  }
0x82: {  	v41 =	vld [tilespmem:s13+$0x4B0]  }
0x83: {  	v42 =	vld [tilespmem:s13+$0x44B0]  }
0x84: {  	v43 =	vld [tilespmem:s13+$0x4C0]  }
0x85: {  	v44 =	vld [tilespmem:s13+$0x44C0]  }
0x86: {  	v45 =	vld [tilespmem:s13+$0x4D0]  }
0x87: {  	v46 =	vld [tilespmem:s13+$0x44D0]  }
0x88: {  	v47 =	vld [tilespmem:s13+$0x4E0]  }
0x89: {  	v48 =	vld [tilespmem:s13+$0x44E0]  }
0x8a: {  	v49 =	vld [tilespmem:s13+$0x4F0];
	v4 =	vsub.f32 v3, v4  }
0x8b: {  	v50 =	vld [tilespmem:s13+$0x44F0];
	v5 =	vsub.f32 v5, v6;
	v6 =	vsub.f32 v7, v8  }
0x8c: {  	v51 =	vld [tilespmem:s13+$0x80];
	v9 =	vsub.f32 v9, v10;
	v10 =	vsub.f32 v11, v12  }
0x8d: {  	v52 =	vld [tilespmem:s13+$0x4080];
	v12 =	vsub.f32 v13, v14;
	v62 =	vsub.f32 v15, v16  }
0x8e: {  	v55 =	vld [tilespmem:s13+$0x40A0];
	v19 =	vsub.f32 v19, v20;
	v63 =	vsub.f32 v17, v18  }
0x8f: {  	v58 =	vld [tilespmem:s13+$0xB0];
	v53 =	vsub.f32 v21, v22;
	v54 =	vsub.f32 v23, v24  }
0x90: {  	v2 =	vld [tilespmem:s13+$0xC0];
	v56 =	vsub.f32 v25, v26;
	v57 =	vsub.f32 v27, v28  }
0x91: {  	v61 =	vld [tilespmem:s13+$0x40C0];
	v59 =	vsub.f32 v29, v30;
	v14 =	vsub.f32 v31, v32  }
0x92: {  	v11 =	vld [tilespmem:s13+$0x90];
	v36 =	vsub.f32 v35, v36;
	v13 =	vsub.f32 v33, v34  }
0x93: {  	v16 =	vld [tilespmem:s13+$0x4090];
	v60 =	vsub.f32 v37, v38;
	v28 =	vsub.f32 v39, v40  }
0x94: {  	v20 =	vld [tilespmem:s13+$0xA0];
	v8 =	vimm.f32 $0.0e+00;
	v27 =	vsub.f32 v41, v42;
	v22 =	vsub.f32 v43, v44  }
0x95: {  	v30 =	vld [tilespmem:s13+$0x40B0];
	v21 =	vsub.f32 v45, v46;
	v23 =	vmul.f32 v4, v4;
	v25 =	vmul.f32 v5, v5  }
0x96: {  	v18 =	vsub.f32 v47, v48;
	[tilespmem:$0x1FFA0] =	vst v62;
	v62 =	vld [tilespmem:s13+$0xD0];
	v24 =	vmul.f32 v6, v6;
	v26 =	vmul.f32 v9, v9  }
0x97: {  	v17 =	vsub.f32 v49, v50;
	v4 =	vld [tilespmem:s13+$0x40D0];
	v15 =	vmul.f32 v10, v10;
	v31 =	vmul.f32 v19, v19  }
0x98: {  	v5 =	vld [tilespmem:s13+$0xE0];
	v6 =	vsub.f32 v51, v52;
	v32 =	vmul.f32 v53, v53;
	v29 =	vmul.f32 v54, v54  }
0x99: {  	v35 =	vsub.f32 v2, v61;
	v9 =	vld [tilespmem:s13+$0x40E0];
	v19 =	vmul.f32 v57, v57;
	v37 =	vmul.f32 v36, v36  }
0x9a: {  	[tilespmem:$0x1FFB0] =	vst v63;
	v36 =	vmul.f32 v60, v60;
	v63 =	vimm.f32 $0.0e+00;
	v43 =	vmul.f32 v6, v6  }
0x9b: {  	v6 =	vimm.f32 $0.0e+00;
	v10 =	vsub.f32 v11, v16;
	v16 =	vmul.f32 v12, v12  }
0x9c: {  	v38 =	vsub.f32 v20, v55;
	v39 =	vsub.f32 v58, v30;
	v30 =	vmul.f32 v56, v56  }
0x9d: {  	v20 =	vmul.f32 v59, v59;
	v11 =	vimm.f32 $0.0e+00;
	v12 =	vimm.f32 $0.0e+00  }
0x9e: {  	v40 =	vld [tilespmem:s13+$0xF0];
	v33 =	vsub.f32 v62, v4;
	v42 =	vmul.f32 v10, v10;
	v34 =	vsub.f32 v5, v9  }
0x9f: {  	s14 =	simm.s32 $0x200;
	v41 =	vld [tilespmem:s13+$0x40F0];
	s13 =	simm.s32 $0x80;
	[tilespmem:$0x1FFC0] =	vst v63;
	v5 =	vimm.f32 $0.0e+00;
	v4 =	vimm.f32 $0.0e+00;
	v10 =	vimm.f32 $0.0e+00  }
.LBB2_2:
0xa0: {  	v50 =	vld [tilespmem:$0x1FFC0]  }
0xa1: {  	s15 =	sand.u32 $0x3000, s14;
	s16 =	sand.u32 $0x380, s13;
	v51 =	vld [tilespmem:$0x1FFA0]  }
0xa2: {  	v52 =	vld [tilespmem:$0x1FFB0];
	s15 =	sor.u32 s16, s15  }
0xa3: {  	v46 =	vmul.f32 v28, v28;
	v28 =	vld [tilespmem:s15+$0xC80]  }
0xa4: {  	v47 =	vmul.f32 v27, v27;
	v27 =	vld [tilespmem:s15+$0x4C80]  }
0xa5: {  	v48 =	vmul.f32 v22, v22;
	v22 =	vld [tilespmem:s15+$0xC90]  }
0xa6: {  	v49 =	vmul.f32 v33, v33;
	v33 =	vld [tilespmem:s15+$0x8B0]  }
0xa7: {  	v5 =	vadd.f32 v42, v5;
	v42 =	vld [tilespmem:s15+$0x8F0]  }
0xa8: {  	v44 =	vld [tilespmem:s15+$0x480]  }
0xa9: {  	v45 =	vld [tilespmem:s15+$0x4480]  }
0xaa: {  	v53 =	vld [tilespmem:s15+$0x44C0]  }
0xab: {  	v54 =	vld [tilespmem:s15+$0x4D0]  }
0xac: {  	v55 =	vld [tilespmem:s15+$0x44D0]  }
0xad: {  	v56 =	vld [tilespmem:s15+$0x4E0]  }
0xae: {  	v57 =	vld [tilespmem:s15+$0x44E0]  }
0xaf: {  	v58 =	vld [tilespmem:s15+$0x4F0]  }
0xb0: {  	v59 =	vld [tilespmem:s15+$0x44F0]  }
0xb1: {  	v60 =	vld [tilespmem:s15+$0x80]  }
0xb2: {  	v35 =	vmul.f32 v35, v35;
	v62 =	vld [tilespmem:s15+$0x4080]  }
0xb3: {  	v2 =	vld [tilespmem:s15+$0x4090]  }
0xb4: {  	v38 =	vmul.f32 v38, v38;
	v11 =	vadd.f32 v35, v11;
	v35 =	vld [tilespmem:s15+$0x8C0]  }
0xb5: {  	v39 =	vmul.f32 v39, v39;
	v5 =	vadd.f32 v36, v5;
	v36 =	vld [tilespmem:s15+$0x48C0]  }
0xb6: {  	v6 =	vadd.f32 v38, v6;
	v38 =	vld [tilespmem:s15+$0x8D0]  }
0xb7: {  	v4 =	vadd.f32 v39, v4;
	v39 =	vld [tilespmem:s15+$0x48D0]  }
0xb8: {  	v12 =	vadd.f32 v49, v12;
	v49 =	vld [tilespmem:s15+$0x44A0]  }
0xb9: {  	v21 =	vmul.f32 v21, v21;
	v40 =	vsub.f32 v40, v41;
	v41 =	vld [tilespmem:s15+$0x48E0]  }
0xba: {  	v3 =	vadd.f32 v43, v8;
	v43 =	vld [tilespmem:s15+$0x48F0]  }
0xbb: {  	v12 =	vadd.f32 v21, v12;
	v21 =	vld [tilespmem:s15+$0xCD0]  }
0xbc: {  	v5 =	vadd.f32 v32, v5;
	v32 =	vld [tilespmem:s15+$0x48A0]  }
0xbd: {  	v6 =	vadd.f32 v46, v6;
	v46 =	vld [tilespmem:s15+$0x490]  }
0xbe: {  	v4 =	vadd.f32 v47, v4;
	v47 =	vld [tilespmem:s15+$0x4490]  }
0xbf: {  	v11 =	vadd.f32 v48, v11;
	v48 =	vld [tilespmem:s15+$0x4A0]  }
0xc0: {  	v8 =	vmul.f32 v51, v51;
	v51 =	vld [tilespmem:s15+$0x44B0]  }
0xc1: {  	v7 =	vmul.f32 v52, v52;
	v52 =	vld [tilespmem:s15+$0x4C0]  }
0xc2: {  	v3 =	vadd.f32 v37, v3;
	v37 =	vld [tilespmem:s15+$0x4C90]  }
0xc3: {  	v6 =	vadd.f32 v29, v6;
	v29 =	vld [tilespmem:s15+$0x4CA0]  }
0xc4: {  	v11 =	vadd.f32 v19, v11;
	v19 =	vld [tilespmem:s15+$0x890]  }
0xc5: {  	v12 =	vadd.f32 v20, v12;
	v20 =	vld [tilespmem:s15+$0x4890]  }
0xc6: {  	v4 =	vadd.f32 v30, v4;
	v30 =	vmul.f32 v34, v34;
	v34 =	vld [tilespmem:s15+$0x48B0]  }
0xc7: {  	v5 =	vadd.f32 v25, v5;
	v25 =	vmul.f32 v40, v40;
	v40 =	vld [tilespmem:s15+$0x8E0]  }
0xc8: {  	v44 =	vsub.f32 v44, v45;
	v45 =	vld [tilespmem:s15+$0xD0]  }
0xc9: {  	v3 =	vadd.f32 v31, v3;
	v31 =	vld [tilespmem:s15+$0xCA0]  }
0xca: {  	v6 =	vadd.f32 v24, v6;
	v24 =	vld [tilespmem:s15+$0x4CB0]  }
0xcb: {  	v4 =	vadd.f32 v26, v4;
	v26 =	vld [tilespmem:s15+$0xCC0]  }
0xcc: {  	v9 =	vadd.f32 v25, v50;
	v25 =	vld [tilespmem:s15+$0x4CC0]  }
0xcd: {  	v11 =	vadd.f32 v15, v11;
	v15 =	vld [tilespmem:s15+$0x880]  }
0xce: {  	v12 =	vadd.f32 v16, v12;
	v16 =	vld [tilespmem:s15+$0x4880]  }
0xcf: {  	v10 =	vadd.f32 v30, v10;
	v30 =	vld [tilespmem:s15+$0x8A0]  }
0xd0: {  	v17 =	vmul.f32 v17, v17;
	v50 =	vld [tilespmem:s15+$0x4B0]  }
0xd1: {  	v18 =	vmul.f32 v18, v18;
	v0 =	vadd.f32 v23, v3;
	v23 =	vld [tilespmem:s15+$0xCB0]  }
0xd2: {  	v61 =	vsub.f32 v28, v27;
	v9 =	vadd.f32 v17, v9;
	v17 =	vld [tilespmem:s15+$0x4CD0]  }
0xd3: {  	v28 =	vsub.f32 v48, v49;
	v10 =	vadd.f32 v18, v10;
	v18 =	vld [tilespmem:s15+$0xCE0]  }
0xd4: {  	v13 =	vmul.f32 v13, v13;
	v37 =	vsub.f32 v22, v37;
	v22 =	vsub.f32 v52, v53;
	v53 =	vld [tilespmem:s15+$0x40D0]  }
0xd5: {  	v14 =	vmul.f32 v14, v14;
	v33 =	vsub.f32 v33, v34;
	v34 =	vsub.f32 v35, v36;
	v35 =	vld [tilespmem:s15+$0x40B0]  }
0xd6: {  	v19 =	vsub.f32 v19, v20;
	v9 =	vadd.f32 v13, v9;
	v13 =	vld [tilespmem:s15+$0x4CE0]  }
0xd7: {  	v36 =	vsub.f32 v38, v39;
	v10 =	vadd.f32 v14, v10;
	v14 =	vld [tilespmem:s15+$0xCF0]  }
0xd8: {  	v29 =	vsub.f32 v31, v29;
	v31 =	vld [tilespmem:s15+$0x90];
	v20 =	vsub.f32 v30, v32  }
0xd9: {  	[tilespmem:$0x1FF90] =	vst v0;
	v27 =	vsub.f32 v50, v51;
	v0 =	vadd.f32 v7, v9;
	v7 =	vld [tilespmem:s15+$0x4CF0]  }
0xda: {  	v30 =	vld [tilespmem:s15+$0xB0];
	v32 =	vmul.f32 v19, v19;
	v19 =	vmul.f32 v34, v34;
	v10 =	vadd.f32 v8, v10  }
0xdb: {  	v63 =	vsub.f32 v23, v24;
	v8 =	vld [tilespmem:s15+$0xA0];
	v23 =	vmul.f32 v61, v61;
	v61 =	vsub.f32 v60, v62  }
0xdc: {  	v9 =	vld [tilespmem:s15+$0xC0];
	v24 =	vmul.f32 v29, v29;
	v1 =	vsub.f32 v21, v17;
	v21 =	vsub.f32 v54, v55  }
0xdd: {  	v62 =	vld [tilespmem:s15+$0x40E0];
	v17 =	vsub.f32 v58, v59;
	v29 =	vmul.f32 v20, v20;
	v3 =	vsub.f32 v18, v13  }
0xde: {  	v20 =	vmul.f32 v36, v36;
	v13 =	vsub.f32 v42, v43;
	v42 =	vld [tilespmem:s15+$0x40C0];
	v7 =	vsub.f32 v14, v7  }
0xdf: {  	[tilespmem:$0x1FFC0] =	vst v0;
	v0 =	vsub.f32 v26, v25;
	v25 =	vmul.f32 v37, v37;
	v18 =	vsub.f32 v56, v57;
	v57 =	vld [tilespmem:s15+$0xE0]  }
0xe0: {  	p0 =	sne.s32 s14, $0x3E00;
	v26 =	vmul.f32 v63, v63;
	v37 =	vmul.f32 v44, v44;
	v43 =	vsub.f32 v46, v47;
	[tilespmem:$0x1FFB0] =	vst v7;
	v7 =	vld [tilespmem:s15+$0x40A0]  }
.Ltmp0:
0xe1: {  	v2 =	vsub.f32 v31, v2;
	v39 =	vsub.f32 v30, v35;
	v30 =	vmul.f32 v33, v33;
	(pc) =	sbr.rel @p0 .LBB2_2-.Ltmp0, $4  }
0xe2: {  	v33 =	vsub.f32 v45, v53;
	[tilespmem:$0x1FFA0] =	vst v3;
	v3 =	vsub.f32 v15, v16;
	v15 =	vmul.f32 v0, v0  }
0xe3: {  	v14 =	vsub.f32 v40, v41;
	v40 =	vld [tilespmem:s15+$0xF0];
	v16 =	vmul.f32 v1, v1;
	v36 =	vmul.f32 v43, v43  }
0xe4: {  	v41 =	vld [tilespmem:s15+$0x40F0];
	v43 =	vmul.f32 v61, v61;
	v31 =	vmul.f32 v3, v3;
	v35 =	vsub.f32 v9, v42  }
0xe5: {  	s13 =	sadd.s32 $0x80, s13;
	s14 =	sadd.s32 $0x200, s14;
	v42 =	vmul.f32 v2, v2;
	v34 =	vsub.f32 v57, v62;
	v38 =	vsub.f32 v8, v7;
	v8 =	vld [tilespmem:$0x1FF90]  }
0xe6: {  	_ =	swait.ge [sflag:s0], $0x4000  }
0xe7: {  	[sflag:s0] =	ssyncset.done $0x0  }
0xe8: {  	[sflag:s0] =	ssyncadd.s32 $0xFFFFC000  }
0xe9: {  	s13 =	simm.s32 $0x0;
	_ =	swait.ge [sflag:s2], $0x4000  }
0xea: {  	s14 =	sand.u32 $0x3000, s13;
	s13 =	sand.u32 $0x380, s13;
	[sflag:s2] =	ssyncset.done $0x0  }
0xeb: {  	s13 =	sor.u32 s13, s14;
	[sflag:s2] =	ssyncadd.s32 $0xFFFFC000  }
0xec: {  	v0 =	vld [tilespmem:s13+$0x8C80]  }
0xed: {  	v47 =	vld [tilespmem:s13+$0xCCA0]  }
0xee: {  	v48 =	vld [tilespmem:s13+$0xCCB0]  }
0xef: {  	v49 =	vld [tilespmem:s13+$0x8CC0]  }
0xf0: {  	v50 =	vld [tilespmem:s13+$0xCCC0]  }
0xf1: {  	v51 =	vld [tilespmem:s13+$0x8CD0]  }
0xf2: {  	v52 =	vld [tilespmem:s13+$0xCCD0]  }
0xf3: {  	v53 =	vld [tilespmem:s13+$0x8CE0]  }
0xf4: {  	v54 =	vld [tilespmem:s13+$0xCCE0]  }
0xf5: {  	v55 =	vld [tilespmem:s13+$0x8CF0]  }
0xf6: {  	v56 =	vld [tilespmem:s13+$0xCCF0]  }
0xf7: {  	v57 =	vld [tilespmem:s13+$0x8880]  }
0xf8: {  	v58 =	vld [tilespmem:s13+$0xC880]  }
0xf9: {  	v59 =	vld [tilespmem:s13+$0x8890]  }
0xfa: {  	v60 =	vld [tilespmem:s13+$0xC890]  }
0xfb: {  	v61 =	vld [tilespmem:s13+$0x88A0]  }
0xfc: {  	v62 =	vld [tilespmem:s13+$0xC8A0]  }
0xfd: {  	v63 =	vld [tilespmem:s13+$0x88B0]  }
0xfe: {  	v46 =	vld [tilespmem:s13+$0xC8B0]  }
0xff: {  	v45 =	vld [tilespmem:s13+$0x88C0]  }
0x100: {  	v44 =	vld [tilespmem:s13+$0x88D0]  }
0x101: {  	v1 =	vld [tilespmem:s13+$0xC8D0]  }
0x102: {  	v3 =	vmul.f32 v38, v38;
	v2 =	vld [tilespmem:s13+$0x88E0]  }
0x103: {  	v9 =	vmul.f32 v39, v39;
	v5 =	vadd.f32 v42, v5;
	v38 =	vld [tilespmem:s13+$0xC8E0]  }
0x104: {  	v3 =	vadd.f32 v3, v6;
	v6 =	vmul.f32 v28, v28;
	v8 =	vadd.f32 v43, v8;
	v39 =	vld [tilespmem:s13+$0x88F0]  }
0x105: {  	v4 =	vadd.f32 v9, v4;
	v9 =	vmul.f32 v27, v27;
	v5 =	vadd.f32 v36, v5;
	v28 =	vld [tilespmem:s13+$0xC8F0]  }
0x106: {  	v3 =	vadd.f32 v6, v3;
	v8 =	vadd.f32 v37, v8;
	v27 =	vld [tilespmem:s13+$0x8480]  }
0x107: {  	v4 =	vadd.f32 v9, v4;
	v5 =	vadd.f32 v32, v5;
	v36 =	vld [tilespmem:s13+$0xC480]  }
0x108: {  	v32 =	vld [tilespmem:s13+$0xC4F0];
	v6 =	vadd.f32 v31, v8;
	v8 =	vadd.f32 v29, v3  }
0x109: {  	v7 =	vsub.f32 v40, v41;
	v9 =	vadd.f32 v30, v4;
	v40 =	vld [tilespmem:s13+$0xC080]  }
0x10a: {  	v43 =	vld [tilespmem:s13+$0x8090];
	v4 =	vadd.f32 v25, v5;
	v5 =	vadd.f32 v24, v8  }
0x10b: {  	v31 =	vld [tilespmem:s13+$0x8490]  }
0x10c: {  	v25 =	vmul.f32 v33, v33;
	[tilespmem:$0x1FF20] =	vst v5;
	v5 =	vld [tilespmem:$0x1FFC0]  }
0x10d: {  	v29 =	vld [tilespmem:s13+$0xC490]  }
0x10e: {  	v12 =	vadd.f32 v25, v12;
	v25 =	vld [tilespmem:s13+$0x84C0]  }
0x10f: {  	v7 =	vmul.f32 v7, v7;
	[tilespmem:$0x1FF30] =	vst v0;
	v0 =	vld [tilespmem:s13+$0xCC80]  }
0x110: {  	v3 =	vadd.f32 v23, v6;
	v23 =	vld [tilespmem:s13+$0x84A0]  }
0x111: {  	v30 =	vmul.f32 v35, v35;
	v7 =	vadd.f32 v7, v5;
	v5 =	vld [tilespmem:$0x1FFA0]  }
0x112: {  	v21 =	vmul.f32 v21, v21;
	v24 =	vld [tilespmem:s13+$0xC4A0];
	v8 =	vmul.f32 v34, v34  }
0x113: {  	v6 =	vadd.f32 v26, v9;
	v9 =	vadd.f32 v30, v11;
	v26 =	vld [tilespmem:s13+$0x84B0];
	v11 =	vmul.f32 v22, v22  }
0x114: {  	v8 =	vadd.f32 v8, v10;
	v10 =	vmul.f32 v17, v17;
	[tilespmem:$0x1FF40] =	vst v0;
	v0 =	vld [tilespmem:s13+$0x8C90]  }
0x115: {  	v22 =	vld [tilespmem:s13+$0xC4B0];
	v9 =	vadd.f32 v11, v9;
	v11 =	vadd.f32 v21, v12  }
0x116: {  	v7 =	vadd.f32 v10, v7;
	v10 =	vmul.f32 v13, v13;
	v13 =	vmul.f32 v5, v5;
	v5 =	vld [tilespmem:$0x1FFB0]  }
0x117: {  	v18 =	vmul.f32 v18, v18;
	v30 =	vld [tilespmem:s13+$0xC4D0]  }
0x118: {  	v34 =	vld [tilespmem:s13+$0x8080];
	v11 =	vadd.f32 v20, v11  }
0x119: {  	v12 =	vmul.f32 v14, v14;
	v8 =	vadd.f32 v18, v8;
	[tilespmem:$0x1FF50] =	vst v0;
	v0 =	vld [tilespmem:s13+$0xCC90]  }
0x11a: {  	v7 =	vadd.f32 v10, v7;
	v10 =	vadd.f32 v16, v11;
	v11 =	vld [tilespmem:$0x1FF40]  }
0x11b: {  	v8 =	vadd.f32 v12, v8;
	v12 =	vmul.f32 v5, v5;
	v5 =	vld [tilespmem:$0x1FF30]  }
0x11c: {  	v42 =	vsub.f32 v49, v50;
	v50 =	vld [tilespmem:s13+$0x80A0]  }
0x11d: {  	v46 =	vsub.f32 v63, v46;
	v63 =	vld [tilespmem:s13+$0xC0E0]  }
0x11e: {  	v17 =	vld [tilespmem:s13+$0xC4C0]  }
0x11f: {  	[tilespmem:$0x1FF60] =	vst v0;
	v0 =	vld [tilespmem:s13+$0x8CA0]  }
0x120: {  	v33 =	vsub.f32 v5, v11;
	v5 =	vld [tilespmem:$0x1FF50]  }
0x121: {  	v11 =	vld [tilespmem:$0x1FF60]  }
0x122: {  	v14 =	vsub.f32 v2, v38;
	v2 =	vld [tilespmem:s13+$0xC0B0]  }
0x123: {  	v18 =	vld [tilespmem:s13+$0x84D0]  }
0x124: {  	v20 =	vld [tilespmem:s13+$0x84E0]  }
0x125: {  	v9 =	vadd.f32 v19, v9;
	[tilespmem:$0x1FF70] =	vst v0;
	v0 =	vld [tilespmem:s13+$0x8CB0]  }
0x126: {  	v35 =	vsub.f32 v5, v11;
	v5 =	vld [tilespmem:$0x1FF70]  }
0x127: {  	v9 =	vadd.f32 v15, v9;
	v15 =	vld [tilespmem:s13+$0xC4E0]  }
0x128: {  	v49 =	vsub.f32 v57, v58;
	v1 =	vsub.f32 v44, v1;
	v16 =	vld [tilespmem:s13+$0x84F0]  }
0x129: {  	v7 =	vadd.f32 v12, v7;
	v12 =	vsub.f32 v53, v54;
	v53 =	vld [tilespmem:s13+$0xC0A0]  }
0x12a: {  	v38 =	vsub.f32 v27, v36;
	v44 =	vsub.f32 v31, v29;
	[tilespmem:$0x1FF80] =	vst v0;
	v0 =	vld [tilespmem:s13+$0xC8C0]  }
0x12b: {  	v19 =	vsub.f32 v23, v24;
	v37 =	vsub.f32 v5, v47;
	v5 =	vld [tilespmem:$0x1FF80]  }
0x12c: {  	v29 =	vmul.f32 v46, v46;
	v23 =	vld [tilespmem:s13+$0xC0C0];
	v21 =	vsub.f32 v26, v22;
	v22 =	vsub.f32 v25, v17  }
0x12d: {  	v38 =	vmul.f32 v38, v38;
	v8 =	vadd.f32 v13, v8;
	v13 =	vsub.f32 v39, v28;
	v39 =	vld [tilespmem:s13+$0x80C0]  }
0x12e: {  	v27 =	vsub.f32 v18, v30;
	v18 =	vsub.f32 v20, v15;
	v20 =	vmul.f32 v1, v1;
	v54 =	vld [tilespmem:s13+$0x80D0]  }
0x12f: {  	v17 =	vsub.f32 v16, v32;
	v16 =	vmul.f32 v42, v42;
	v0 =	vsub.f32 v45, v0;
	v45 =	vld [tilespmem:s13+$0x80B0]  }
0x130: {  	v32 =	vmul.f32 v49, v49;
	v36 =	vsub.f32 v50, v53;
	v41 =	vsub.f32 v5, v48;
	v48 =	vld [tilespmem:s13+$0xC090]  }
0x131: {  	v25 =	vmul.f32 v33, v33;
	v47 =	vsub.f32 v51, v52;
	v51 =	vsub.f32 v59, v60;
	v60 =	vld [tilespmem:s13+$0xC0D0]  }
0x132: {  	v33 =	vsub.f32 v39, v23;
	v39 =	vmul.f32 v44, v44;
	v52 =	vsub.f32 v61, v62;
	v61 =	vld [tilespmem:s13+$0x80E0]  }
0x133: {  	v11 =	vsub.f32 v55, v56;
	v24 =	vmul.f32 v35, v35;
	v23 =	vmul.f32 v0, v0  }
0x134: {  	v62 =	vsub.f32 v34, v40;
	v28 =	vmul.f32 v37, v37;
	v15 =	vmul.f32 v47, v47  }
0x135: {  	v30 =	vmul.f32 v51, v51;
	v31 =	vmul.f32 v52, v52;
	v43 =	vsub.f32 v43, v48  }
0x136: {  	v37 =	vld [tilespmem:s13+$0x80F0];
	v42 =	vmul.f32 v62, v62;
	v40 =	vsub.f32 v45, v2;
	v34 =	vsub.f32 v54, v60  }
0x137: {  	s14 =	simm.s32 $0x200;
	v35 =	vsub.f32 v61, v63;
	v26 =	vmul.f32 v41, v41;
	v41 =	vld [tilespmem:s13+$0xC0F0];
	s13 =	simm.s32 $0x80;
	v43 =	vmul.f32 v43, v43  }
.LBB2_4:
0x138: {  	s15 =	sand.u32 $0x3000, s14;
	s16 =	sand.u32 $0x380, s13  }
0x139: {  	v5 =	vld [tilespmem:$0x1FF20];
	s15 =	sor.u32 s16, s15  }
0x13a: {  	v61 =	vmul.f32 v19, v19;
	v19 =	vld [tilespmem:s15+$0x8C80]  }
0x13b: {  	v62 =	vmul.f32 v22, v22;
	v22 =	vld [tilespmem:s15+$0x8C90]  }
0x13c: {  	v63 =	vld [tilespmem:s15+$0xCC90]  }
0x13d: {  	v49 =	vmul.f32 v34, v34;
	v34 =	vld [tilespmem:s15+$0x88D0]  }
0x13e: {  	v1 =	vmul.f32 v40, v40;
	v40 =	vld [tilespmem:s15+$0xC8F0]  }
0x13f: {  	v44 =	vld [tilespmem:s15+$0xC490]  }
0x140: {  	v45 =	vld [tilespmem:s15+$0x84A0]  }
0x141: {  	v46 =	vld [tilespmem:s15+$0xC4A0]  }
0x142: {  	v47 =	vld [tilespmem:s15+$0x84B0]  }
0x143: {  	v48 =	vld [tilespmem:s15+$0xC4B0]  }
0x144: {  	v50 =	vld [tilespmem:s15+$0xC4C0]  }
0x145: {  	v51 =	vld [tilespmem:s15+$0x84D0]  }
0x146: {  	v52 =	vld [tilespmem:s15+$0xC4D0]  }
0x147: {  	v53 =	vld [tilespmem:s15+$0x84E0]  }
0x148: {  	v54 =	vld [tilespmem:s15+$0xC4E0]  }
0x149: {  	v55 =	vld [tilespmem:s15+$0x84F0]  }
0x14a: {  	v56 =	vld [tilespmem:s15+$0xC4F0]  }
0x14b: {  	v57 =	vld [tilespmem:s15+$0x8080]  }
0x14c: {  	v59 =	vld [tilespmem:s15+$0xC080]  }
0x14d: {  	v2 =	vsub.f32 v37, v41;
	v37 =	vld [tilespmem:s15+$0x88E0]  }
0x14e: {  	v41 =	vld [tilespmem:s15+$0x8480]  }
0x14f: {  	v0 =	vmul.f32 v36, v36;
	v3 =	vadd.f32 v42, v3;
	v42 =	vld [tilespmem:s15+$0xC480]  }
0x150: {  	v4 =	vadd.f32 v43, v4;
	v43 =	vld [tilespmem:s15+$0x8490]  }
0x151: {  	v0 =	vadd.f32 v0, v5;
	v5 =	vmul.f32 v21, v21;
	v21 =	vld [tilespmem:s15+$0xCC80]  }
0x152: {  	v3 =	vadd.f32 v38, v3;
	v38 =	vld [tilespmem:s15+$0xC8E0]  }
0x153: {  	v4 =	vadd.f32 v39, v4;
	v39 =	vld [tilespmem:s15+$0x88F0]  }
0x154: {  	v1 =	vadd.f32 v1, v6;
	v2 =	vmul.f32 v2, v2;
	v0 =	vadd.f32 v61, v0;
	v61 =	vld [tilespmem:s15+$0xC090]  }
0x155: {  	v4 =	vadd.f32 v30, v4;
	v30 =	vld [tilespmem:s15+$0x8CA0]  }
0x156: {  	v1 =	vadd.f32 v5, v1;
	v2 =	vadd.f32 v2, v7;
	v7 =	vmul.f32 v17, v17;
	v17 =	vld [tilespmem:s15+$0xCCC0]  }
0x157: {  	v3 =	vadd.f32 v32, v3;
	v32 =	vld [tilespmem:s15+$0x88C0]  }
0x158: {  	v1 =	vadd.f32 v29, v1;
	v29 =	vld [tilespmem:s15+$0xCCA0]  }
0x159: {  	v0 =	vadd.f32 v31, v0;
	v31 =	vmul.f32 v35, v35;
	v35 =	vld [tilespmem:s15+$0xC8D0]  }
0x15a: {  	v33 =	vmul.f32 v33, v33;
	v3 =	vadd.f32 v25, v3;
	v25 =	vld [tilespmem:s15+$0x8CD0]  }
0x15b: {  	v2 =	vadd.f32 v7, v2;
	v7 =	vmul.f32 v13, v13;
	v13 =	vld [tilespmem:s15+$0xCCD0];
	v6 =	vadd.f32 v26, v1  }
0x15c: {  	v1 =	vadd.f32 v33, v9;
	v9 =	vadd.f32 v49, v10;
	v10 =	vmul.f32 v18, v18;
	v18 =	vld [tilespmem:s15+$0x8CC0]  }
0x15d: {  	v26 =	vld [tilespmem:s15+$0x88A0]  }
0x15e: {  	v0 =	vadd.f32 v28, v0;
	v28 =	vld [tilespmem:s15+$0x88B0]  }
0x15f: {  	v8 =	vadd.f32 v31, v8;
	v31 =	vld [tilespmem:s15+$0xC8B0]  }
0x160: {  	v33 =	vld [tilespmem:s15+$0xC8C0]  }
0x161: {  	v49 =	vld [tilespmem:s15+$0x84C0]  }
0x162: {  	[tilespmem:$0x1FF00] =	vst v3;
	v3 =	vadd.f32 v24, v4;
	v24 =	vld [tilespmem:s15+$0x8CB0]  }
0x163: {  	v27 =	vmul.f32 v27, v27;
	v2 =	vadd.f32 v7, v2;
	v7 =	vmul.f32 v11, v11;
	v11 =	vld [tilespmem:s15+$0xCCE0]  }
0x164: {  	[tilespmem:$0x1FF20] =	vst v0;
	v0 =	vld [tilespmem:s15+$0xCCB0]  }
0x165: {  	v9 =	vadd.f32 v27, v9;
	v27 =	vld [tilespmem:s15+$0xC8A0]  }
0x166: {  	v7 =	vadd.f32 v7, v2;
	v2 =	vld [tilespmem:s15+$0xCCF0]  }
0x167: {  	v36 =	vsub.f32 v22, v63;
	v29 =	vsub.f32 v30, v29;
	v30 =	vld [tilespmem:s15+$0x8090]  }
0x168: {  	v58 =	vsub.f32 v19, v21;
	v8 =	vadd.f32 v10, v8;
	[tilespmem:$0x1FF10] =	vst v3;
	v3 =	vld [tilespmem:s15+$0x80B0]  }
0x169: {  	v14 =	vmul.f32 v14, v14;
	v34 =	vsub.f32 v34, v35;
	v35 =	vsub.f32 v41, v42;
	v42 =	vld [tilespmem:s15+$0x80D0]  }
0x16a: {  	v1 =	vadd.f32 v62, v1;
	v10 =	vadd.f32 v20, v9;
	v20 =	vld [tilespmem:s15+$0x8CE0]  }
0x16b: {  	v19 =	vsub.f32 v45, v46;
	v8 =	vadd.f32 v14, v8;
	v14 =	vld [tilespmem:s15+$0x8880]  }
0x16c: {  	v21 =	vsub.f32 v47, v48;
	v1 =	vadd.f32 v23, v1;
	v23 =	vld [tilespmem:s15+$0xC890]  }
0x16d: {  	v62 =	vsub.f32 v25, v13;
	v25 =	vmul.f32 v58, v58;
	v58 =	vsub.f32 v57, v59;
	v59 =	vld [tilespmem:s15+$0xC0E0]  }
0x16e: {  	v13 =	vsub.f32 v39, v40;
	v4 =	vsub.f32 v28, v31;
	v31 =	vld [tilespmem:s15+$0xC0B0]  }
0x16f: {  	v39 =	vsub.f32 v43, v44;
	v9 =	vadd.f32 v16, v1;
	v1 =	vld [tilespmem:s15+$0x8CF0]  }
0x170: {  	v60 =	vsub.f32 v18, v17;
	v10 =	vadd.f32 v15, v10;
	v15 =	vld [tilespmem:s15+$0xC880]  }
0x171: {  	v12 =	vmul.f32 v12, v12;
	v5 =	vsub.f32 v32, v33;
	v22 =	vsub.f32 v49, v50;
	v16 =	vld [tilespmem:s15+$0x8890]  }
0x172: {  	v33 =	vld [tilespmem:s15+$0x80C0];
	v18 =	vsub.f32 v53, v54;
	v17 =	vsub.f32 v55, v56  }
0x173: {  	v50 =	vld [tilespmem:s15+$0xC0D0];
	v28 =	vmul.f32 v29, v29;
	v8 =	vadd.f32 v12, v8;
	v0 =	vsub.f32 v24, v0  }
0x174: {  	v39 =	vmul.f32 v39, v39;
	v12 =	vsub.f32 v20, v11;
	v20 =	vld [tilespmem:s15+$0x80A0];
	v40 =	vsub.f32 v3, v31  }
0x175: {  	v24 =	vmul.f32 v36, v36;
	v63 =	vsub.f32 v14, v15;
	v11 =	vsub.f32 v1, v2;
	v1 =	vld [tilespmem:s15+$0xC0A0]  }
0x176: {  	v29 =	vmul.f32 v4, v4;
	v2 =	vsub.f32 v16, v23;
	v14 =	vsub.f32 v37, v38;
	v38 =	vld [tilespmem:s15+$0xC0C0]  }
0x177: {  	p0 =	sne.s32 s14, $0x3E00;
	v54 =	vld [tilespmem:s15+$0x80E0];
	v23 =	vsub.f32 v26, v27;
	v26 =	vmul.f32 v0, v0;
	v16 =	vmul.f32 v60, v60  }
.Ltmp1:
0x178: {  	v0 =	vsub.f32 v30, v61;
	v15 =	vmul.f32 v62, v62;
	v32 =	vmul.f32 v63, v63;
	(pc) =	sbr.rel @p0 .LBB2_4-.Ltmp1, $4  }
0x179: {  	v41 =	vld [tilespmem:s15+$0xC0F0];
	v27 =	vsub.f32 v51, v52;
	v30 =	vmul.f32 v2, v2;
	v31 =	vmul.f32 v23, v23  }
0x17a: {  	v4 =	vld [tilespmem:$0x1FF10];
	v23 =	vmul.f32 v5, v5;
	v43 =	vmul.f32 v0, v0;
	v36 =	vsub.f32 v20, v1  }
0x17b: {  	v3 =	vld [tilespmem:$0x1FF00];
	v33 =	vsub.f32 v33, v38;
	v20 =	vmul.f32 v34, v34;
	v34 =	vsub.f32 v42, v50  }
0x17c: {  	s13 =	sadd.s32 $0x80, s13;
	s14 =	sadd.s32 $0x200, s14;
	v37 =	vld [tilespmem:s15+$0x80F0];
	v38 =	vmul.f32 v35, v35;
	v42 =	vmul.f32 v58, v58;
	v35 =	vsub.f32 v54, v59  }
0x17d: {  	v1 =	vmul.f32 v40, v40  }
0x17e: {  	v48 =	vld [tilespmem:$0x1FF20];
	v51 =	vmul.f32 v33, v33;
	v52 =	vmul.f32 v34, v34  }
0x17f: {  	v53 =	vmul.f32 v35, v35;
	v4 =	vadd.f32 v43, v4;
	v1 =	vadd.f32 v1, v6  }
0x180: {  	v6 =	vadd.f32 v51, v9;
	v55 =	vadd.f32 v52, v10  }
0x181: {  	v0 =	vmul.f32 v36, v36;
	v3 =	vadd.f32 v42, v3;
	v8 =	vadd.f32 v53, v8  }
0x182: {  	v49 =	vmul.f32 v21, v21;
	v2 =	vsub.f32 v37, v41;
	v4 =	vadd.f32 v39, v4  }
0x183: {  	v5 =	vmul.f32 v19, v19;
	v0 =	vadd.f32 v0, v48;
	v3 =	vadd.f32 v38, v3  }
0x184: {  	v54 =	vmul.f32 v27, v27;
	v1 =	vadd.f32 v49, v1;
	v4 =	vadd.f32 v30, v4  }
0x185: {  	v0 =	vadd.f32 v5, v0;
	v3 =	vadd.f32 v32, v3  }
0x186: {  	v50 =	vmul.f32 v22, v22;
	v57 =	vadd.f32 v54, v55;
	v4 =	vadd.f32 v24, v4  }
0x187: {  	v0 =	vadd.f32 v31, v0;
	v3 =	vadd.f32 v25, v3  }
0x188: {  	v1 =	vadd.f32 v29, v1;
	v5 =	vadd.f32 v50, v6  }
0x189: {  	v56 =	vmul.f32 v18, v18;
	v0 =	vadd.f32 v28, v0;
	v3 =	vadd.f32 v4, v3  }
0x18a: {  	v2 =	vmul.f32 v2, v2;
	v6 =	vadd.f32 v20, v57;
	v1 =	vadd.f32 v26, v1  }
0x18b: {  	v5 =	vadd.f32 v23, v5;
	v0 =	vadd.f32 v0, v3  }
0x18c: {  	v58 =	vmul.f32 v17, v17;
	v2 =	vadd.f32 v2, v7;
	v4 =	vadd.f32 v56, v8  }
0x18d: {  	v59 =	vmul.f32 v14, v14;
	v5 =	vadd.f32 v16, v5;
	v0 =	vadd.f32 v1, v0  }
0x18e: {  	v61 =	vmul.f32 v13, v13;
	v6 =	vadd.f32 v15, v6;
	v60 =	vadd.f32 v58, v2  }
0x18f: {  	v62 =	vmul.f32 v12, v12;
	v3 =	vadd.f32 v59, v4;
	v0 =	vadd.f32 v5, v0  }
0x190: {  	v1 =	vadd.f32 v61, v60  }
0x191: {  	v63 =	vmul.f32 v11, v11;
	v3 =	vadd.f32 v62, v3;
	v0 =	vadd.f32 v6, v0;
	_ =	sdelay $0x1  }
0x192: {  	v1 =	vadd.f32 v63, v1;
	v0 =	vadd.f32 v3, v0;
	_ =	sdelay $0x1  }
0x193: {  	s12 =	sadd.s32 $0x1, s12;
	v0 =	vadd.f32 v1, v0  }
0x194: {  	p0 =	sne.s32 s12, s9  }
.Ltmp2:
0x195: {  	[tilespmem:$0x10080] =	vst v0;
	(pc) =	sbr.rel @p0 .LBB2_1-.Ltmp2, $4  }
0x196: {  	[hbm4b:s8+s3] =	stream.linear.scatter [tilespmem:s11], [sflag:$0x5], $0x80, $0x38;
	[tilespmem:$0x10100] =	vst v63  }
0x197: {  	_ =	swait.ge [sflag:s10], $0x80  }
0x198: {  	[sflag:s10] =	ssyncset.done $0x0  }
0x199: {  	[sflag:s10] =	ssyncadd.s32 $0xFFFFFF80  }
0x19a: {  	_ =	sfence.sel $0x180000  }
0x19b: {  	[bflag:$0x0] =	sbarrier.arrive $0xFFFF  }
0x19c: {  	_ =	strace $0x90000047  }
0x19d: {  	s0 =	stileid.u32;
	[bflag:$0x2] =	sbarrier.arrive $0xFFFF  }
0x19e: {  	p0 =	sne.s32 s0, $0x0;
	s0 =	rddreg [dreg:$0x4]  }
0x19f: {  	s0 =	sadd.s32 @!p0 $0x100000, s0  }
0x1a0: {  	[sflag:s0] =	ssyncadd.tile.s32 @!p0 $0x1;
	_ =	shalt  }
.Lfunc_end2:
_tile_overlayer_lowered:
.L_overlay_start_2:
0x1a1: {  	(tag) =	ssettag $0x2  }
0x1a2: {  	s0 =	rddreg [dreg:$0x0];
	s2 =	stileid.u32  }
0x1a3: {  	s1 =	rddreg [dreg:$0x1];
	p0 =	sne.s32 s2, $0x0  }
0x1a4: {  	s3 =	rddreg [dreg:$0x2];
	[bflag:$0x3] =	sbarrier.arrive $0xFFFF;
	s2 =	simm.s32 @!p0 $0x1C05  }
0x1a5: {  	[timem:s3], [sflag:s2] =	dma.local @!p0 [hbm:s0], s1  }
0x1a6: {  	s0 =	simm.s32 @!p0 $0x5  }
0x1a7: {  	_ =	swait.ge @!p0 [sflag:s0], s1  }
0x1a8: {  	s1 =	ssub.s32 @!p0 $0x0, s1;
	[sflag:s0] =	ssyncset.done @!p0 $0x0  }
0x1a9: {  	[sflag:s0] =	ssyncadd.s32 @!p0 s1  }
0x1aa: {  	[bflag:$0x3] =	sbarrier.arrive $0xFFFF  }
0x1ab: {  	_ =	shalt  }

</sc_bundles>
